<compile_context>
chip_gen: v7x
topology: tpu7x:2x2x1
jax: 0.10.2.dev20260603
libtpu: 0.0.44.dev20260713+nightly
codegen_flags: <defaults>
</compile_context>

<pallas_src>
import functools

import jax
import jax.numpy as jnp
from jax import lax
from jax.experimental import pallas as pl
from jax.experimental.pallas import tpu as pltpu
from jax.experimental.pallas import tpu_sc as plsc

EPS = 1e-15
MAX_TANH_ARG = 1.0 - 1e-5

NC = 2
NS = 16
CH = 128
CW = 8
HD = 64


def _atanh(a):
  return 0.5 * jnp.log((1.0 + a) / (1.0 - a))


def _pre_body(c_ref, x_ref, o_ref):
  sqrt_c = jnp.sqrt(c_ref[0, 0])
  x = x_ref[...]
  norm = jnp.maximum(jnp.sqrt(jnp.sum(x * x, axis=-1, keepdims=True)), EPS)
  arg = jnp.minimum(sqrt_c * norm, MAX_TANH_ARG)
  o_ref[...] = _atanh(arg) * x / (sqrt_c * norm)


def _log_map_tc(x, c, block):
  n, d = x.shape
  grid = n // block
  return pl.pallas_call(
      _pre_body,
      grid=(grid,),
      in_specs=[
          pl.BlockSpec((1, 1), lambda i: (0, 0)),
          pl.BlockSpec((block, d), lambda i: (i, 0)),
      ],
      out_specs=pl.BlockSpec((block, d), lambda i: (i, 0)),
      out_shape=jax.ShapeDtypeStruct((n, d), jnp.float32),
  )(c.reshape(1, 1), x)


def _make_sc_agg(npad, nchunk):
  mesh = plsc.VectorSubcoreMesh(core_axis_name="c", subcore_axis_name="s")
  pr = npad // NS
  tail = pr - 4 * CH

  @functools.partial(
      pl.kernel,
      out_type=jax.ShapeDtypeStruct((NC, NS, pr, HD), jnp.float32),
      mesh=mesh,
      compiler_params=pltpu.CompilerParams(use_tc_tiling_on_sc=False),
      scratch_types=[
          pltpu.VMEM((nchunk, CH), jnp.int32),
          pltpu.VMEM((nchunk, CH), jnp.int32),
          pltpu.VMEM((CH, HD), jnp.float32),
          pltpu.VMEM((CH, HD), jnp.float32),
          pltpu.VMEM_SHARED((npad, HD), jnp.float32),
          pltpu.SemaphoreType.DMA,
          pltpu.SemaphoreType.DMA,
      ],
  )
  def sc_agg(v2_hbm, src_hbm, dst_hbm, z64_hbm,
             part_out,
             src_v, dst_v, rows_v, rows_b, agg_sh, sem, sem_b):
    cid = lax.axis_index("c")
    sid = lax.axis_index("s")
    pltpu.sync_copy(src_hbm.at[cid, sid], src_v)
    pltpu.sync_copy(dst_hbm.at[sid], dst_v)
    pltpu.sync_copy(z64_hbm, rows_v)

    def zinit(t, carry):
      pltpu.sync_copy(rows_v, agg_sh.at[pl.ds(sid * pr + t * CH, CH)])
      return carry

    lax.fori_loop(0, 4, zinit, 0)
    pltpu.sync_copy(rows_v.at[pl.ds(0, tail)],
                    agg_sh.at[pl.ds(sid * pr + 4 * CH, tail)])
    plsc.subcore_barrier()

    pltpu.async_copy(v2_hbm.at[src_v.at[0]], rows_v, sem)

    def body(t, carry):
      j0 = 2 * t
      pltpu.async_copy(v2_hbm.at[src_v.at[j0 + 1]], rows_b, sem_b)
      pltpu.make_async_copy(v2_hbm.at[src_v.at[j0]], rows_v, sem).wait()
      pltpu.sync_copy(rows_v, agg_sh.at[dst_v.at[j0]], add=True)

      @pl.when(t + 1 < nchunk // 2)
      def _():
        pltpu.async_copy(v2_hbm.at[src_v.at[j0 + 2]], rows_v, sem)

      pltpu.make_async_copy(v2_hbm.at[src_v.at[j0 + 1]], rows_b,
                            sem_b).wait()
      pltpu.sync_copy(rows_b, agg_sh.at[dst_v.at[j0 + 1]], add=True)
      return carry

    lax.fori_loop(0, nchunk // 2, body, 0)
    plsc.subcore_barrier()

    def cout(t, carry):
      pltpu.sync_copy(agg_sh.at[pl.ds(sid * pr + t * CH, CH)], rows_v)
      pltpu.sync_copy(rows_v, part_out.at[cid, sid, pl.ds(t * CH, CH)])
      return carry

    lax.fori_loop(0, 4, cout, 0)
    pltpu.sync_copy(agg_sh.at[pl.ds(sid * pr + 4 * CH, tail)],
                    rows_v.at[pl.ds(0, tail)])
    pltpu.sync_copy(rows_v.at[pl.ds(0, tail)],
                    part_out.at[cid, sid, pl.ds(4 * CH, tail)])

  return sc_agg


def _make_sc_cnt(npad, nchunkb):
  mesh = plsc.VectorSubcoreMesh(core_axis_name="c", subcore_axis_name="s")
  pr = npad // NS
  tail = pr - 4 * CH

  @functools.partial(
      pl.kernel,
      out_type=jax.ShapeDtypeStruct((NC, NS, pr, CW), jnp.float32),
      mesh=mesh,
      compiler_params=pltpu.CompilerParams(use_tc_tiling_on_sc=False),
      scratch_types=[
          pltpu.VMEM((nchunkb, CH), jnp.int32),
          pltpu.VMEM((CH, CW), jnp.float32),
          pltpu.VMEM((CH, CW), jnp.float32),
          pltpu.VMEM_SHARED((npad, CW), jnp.float32),
      ],
  )
  def sc_cnt(dst_hbm, z8_hbm, o8_hbm,
             cnt_out,
             dst_v, zbuf, obuf, cnt_sh):
    cid = lax.axis_index("c")
    sid = lax.axis_index("s")
    pltpu.sync_copy(dst_hbm.at[cid, sid], dst_v)
    pltpu.sync_copy(z8_hbm, zbuf)
    pltpu.sync_copy(o8_hbm, obuf)

    def zinit(t, carry):
      pltpu.sync_copy(zbuf, cnt_sh.at[pl.ds(sid * pr + t * CH, CH)])
      return carry

    lax.fori_loop(0, 4, zinit, 0)
    pltpu.sync_copy(zbuf.at[pl.ds(0, tail)],
                    cnt_sh.at[pl.ds(sid * pr + 4 * CH, tail)])
    plsc.subcore_barrier()

    def body(j, carry):
      pltpu.sync_copy(obuf, cnt_sh.at[dst_v.at[j]], add=True)
      return carry

    lax.fori_loop(0, nchunkb, body, 0)
    plsc.subcore_barrier()

    def cout(t, carry):
      pltpu.sync_copy(cnt_sh.at[pl.ds(sid * pr + t * CH, CH)], zbuf)
      pltpu.sync_copy(zbuf, cnt_out.at[cid, sid, pl.ds(t * CH, CH)])
      return carry

    lax.fori_loop(0, 4, cout, 0)
    pltpu.sync_copy(cnt_sh.at[pl.ds(sid * pr + 4 * CH, tail)],
                    zbuf.at[pl.ds(0, tail)])
    pltpu.sync_copy(zbuf.at[pl.ds(0, tail)],
                    cnt_out.at[cid, sid, pl.ds(4 * CH, tail)])

  return sc_cnt


def _post_body(c_ref, v_ref, p0_ref, p1_ref, c0_ref, c1_ref, wt_ref, b_ref,
               o_ref):
  sqrt_c = jnp.sqrt(c_ref[0, 0])
  v = v_ref[...]
  agg = jnp.concatenate([p0_ref[...], p1_ref[...]], axis=1) + v
  cnt = c0_ref[:, :1] + c1_ref[:, :1] + 1.0
  va = agg / jnp.maximum(cnt, 1.0)
  r1 = jnp.maximum(jnp.sqrt(jnp.sum(va * va, axis=-1, keepdims=True)), EPS)
  vh = jnp.tanh(sqrt_c * r1) * va / (sqrt_c * r1)
  r2 = jnp.maximum(jnp.sqrt(jnp.sum(vh * vh, axis=-1, keepdims=True)), EPS)
  a2 = jnp.minimum(sqrt_c * r2, MAX_TANH_ARG)
  vv = _atanh(a2) * vh / (sqrt_c * r2)
  out = jnp.dot(vv, wt_ref[...], preferred_element_type=jnp.float32)
  out = out + b_ref[...]
  r3 = jnp.maximum(jnp.sqrt(jnp.sum(out * out, axis=-1, keepdims=True)), EPS)
  o_ref[...] = jnp.tanh(sqrt_c * r3) * out / (sqrt_c * r3)


def _post_tc(v, part, cnt, c, Wt, b, block):
  n, d = v.shape
  od = Wt.shape[1]
  grid = n // block
  return pl.pallas_call(
      _post_body,
      grid=(grid,),
      in_specs=[
          pl.BlockSpec((1, 1), lambda i: (0, 0)),
          pl.BlockSpec((block, d), lambda i: (i, 0)),
          pl.BlockSpec((block, HD), lambda i: (i, 0)),
          pl.BlockSpec((block, HD), lambda i: (i, 0)),
          pl.BlockSpec((block, CW), lambda i: (i, 0)),
          pl.BlockSpec((block, CW), lambda i: (i, 0)),
          pl.BlockSpec((d, od), lambda i: (0, 0)),
          pl.BlockSpec((1, od), lambda i: (0, 0)),
      ],
      out_specs=pl.BlockSpec((block, od), lambda i: (i, 0)),
      out_shape=jax.ShapeDtypeStruct((n, od), jnp.float32),
  )(c.reshape(1, 1), v, part[0], part[1], cnt[0], cnt[1], Wt,
    b.reshape(1, od))


def kernel(x, edge_index, c, W, b):
  n, d = x.shape
  e = edge_index.shape[1]
  c = c.astype(jnp.float32)

  nchunk = ((-(-e // (NS * CH)) + 15) // 16) * 16
  epad = NS * CH * nchunk
  npad = ((n + 1 + 2 * NS - 1) // (2 * NS)) * 2 * NS

  src = edge_index[0].astype(jnp.int32)
  dst = edge_index[1].astype(jnp.int32)
  if epad > e:
    src = jnp.concatenate([src, jnp.zeros((epad - e,), jnp.int32)])
    dst = jnp.concatenate([dst, jnp.full((epad - e,), n, jnp.int32)])
  src3 = jnp.stack([2 * src + c_ for c_ in range(NC)]
                   ).reshape(NC, NS, nchunk, CH)
  dst3 = dst.reshape(NS, nchunk, CH)
  dstb = dst.reshape(NC, NS, nchunk // 2, CH)

  z64 = jnp.zeros((CH, HD), jnp.float32)
  z8 = jnp.zeros((CH, CW), jnp.float32)
  o8 = jnp.ones((CH, CW), jnp.float32)

  v = _log_map_tc(x, c, block=1000)
  v2 = v.reshape(2 * n, HD)
  part = _make_sc_agg(npad, nchunk)(v2, src3, dst3, z64)
  cnt = _make_sc_cnt(npad, nchunk // 2)(dstb, z8, o8)
  part = part.reshape(NC, npad, HD)
  cnt = cnt.reshape(NC, npad, CW)
  return _post_tc(v, part, cnt, c, W.T, b, block=1000)

# --- scband reference (transcript-rebuilt; emitter-appended) ---
"""Pipeline reference for scband-hyperbolic-graph-conv-5007931867355 (READ-ONLY COPY).

The authoritative reference and input builder live on the scoring server;
editing this copy changes nothing except your own understanding.
"""

import jax, jax.numpy as jnp
import numpy as np

EPS = 1e-15
MAX_TANH_ARG = 1.0 - 1e-5

def log_map_zero(x, c):
    sqrt_c = jnp.sqrt(c)
    norm = jnp.clip(jnp.linalg.norm(x, axis=-1, keepdims=True), EPS, None)
    arg = jnp.clip(sqrt_c * norm, None, MAX_TANH_ARG)
    return jnp.arctanh(arg) * x / (sqrt_c * norm)

def exp_map_zero(v, c):
    sqrt_c = jnp.sqrt(c)
    norm = jnp.clip(jnp.linalg.norm(v, axis=-1, keepdims=True), EPS, None)
    return jnp.tanh(sqrt_c * norm) * v / (sqrt_c * norm)

N = 10000
E = 320000
IN_DIM = 128
OUT_DIM = 128

def setup_inputs(seed: int = 0) -> dict:
    key = jax.random.key(seed)
    k1, k2, k3 = jax.random.split(key, 3)
    # scale node features so they lie well inside the unit Poincare ball
    x = jax.random.normal(k1, (N, IN_DIM), dtype=jnp.float32) * 0.01
    edge_index = jax.random.randint(k2, (2, E), 0, N, dtype=jnp.int64)
    c = jnp.ones((), dtype=jnp.float32)
    # HyperbolicLinear params (xavier uniform)
    limit = float(np.sqrt(6.0 / (IN_DIM + OUT_DIM)))
    W = jax.random.uniform(k3, (OUT_DIM, IN_DIM), dtype=jnp.float32, minval=-limit, maxval=limit)
    b = jnp.zeros((OUT_DIM,), dtype=jnp.float32)
    return {"x": x, "edge_index": edge_index, "c": c, "W": W, "b": b}

def reference(x, edge_index, c, W, b):
    num_nodes = x.shape[0]
    v = log_map_zero(x, c)
    src = edge_index[0]
    dst = edge_index[1]
    agg = jnp.zeros((num_nodes, v.shape[-1]), dtype=v.dtype).at[dst].add(v[src])
    count = jnp.zeros((num_nodes, 1), dtype=v.dtype).at[dst].add(jnp.ones((dst.shape[0], 1), dtype=v.dtype))
    agg = agg + v
    count = count + 1.0
    v_agg = agg / jnp.clip(count, 1.0, None)
    v_hyp = exp_map_zero(v_agg, c)
    # HyperbolicLinear
    vv = log_map_zero(v_hyp, c)
    out = vv @ W.T + b
    return exp_map_zero(out, c)

if __name__ == "__main__":
    import jax
    _d = setup_inputs()
    print(jax.jit(kernel)(*tuple(_d.values())))

</pallas_src>

<mosaic_0001>
#map = affine_map<(d0, d1) -> (0, 0, 0, 0)>
#map1 = affine_map<(d0, d1) -> (0, 0)>
module attributes {stable_mosaic.version = 14 : i64} {
  func.func @sc_cnt(%arg0: i32, %arg1: i32, %arg2: memref<2x16x80x128xi32, #tpu.memory_space<hbm>>, %arg3: memref<128x8xf32, #tpu.memory_space<hbm>>, %arg4: memref<128x8xf32, #tpu.memory_space<hbm>>, %arg5: memref<2x16x626x8xf32, #tpu.memory_space<hbm>>, %arg6: memref<80x128xi32, #tpu.memory_space<vmem>>, %arg7: memref<128x8xf32, #tpu.memory_space<vmem>>, %arg8: memref<128x8xf32, #tpu.memory_space<vmem>>, %arg9: memref<10016x8xf32, #tpu.memory_space<vmem_shared>>) attributes {dimension_semantics = [#tpu.dimension_semantics<core_parallel>, #tpu.dimension_semantics<subcore_parallel>], iteration_bounds = array<i64: 2, 16>, scalar_prefetch = 0 : i64, scratch_operands = 4 : i64, tpu.core_type = #tpu.core_type<sc_vector_subcore>, window_params = [{transform_indices = #map}, {transform_indices = #map1}, {transform_indices = #map1}, {transform_indices = #map}]} {
    "tpu.region"() ({
      %run_scoped3A = tpu.sem_alloc : memref<!tpu.dma_semaphore, #tpu.memory_space<semaphore_mem>>
      %dma_start3A = arith.constant 0 : i32
      %dma_start3A_24 = arith.constant 0 : i32
      %dma_start3A_25 = tpu.memref_slice %arg2[%arg0, %arg1, %dma_start3A, %dma_start3A_24] : memref<2x16x80x128xi32, #tpu.memory_space<hbm>> -> memref<1x1x80x128xi32, #tpu.memory_space<hbm>>
      %dma_start3A_26 = tpu.memref_squeeze %dma_start3A_25 : memref<1x1x80x128xi32, #tpu.memory_space<hbm>> -> memref<80x128xi32, #tpu.memory_space<hbm>>
      %dma_start3A_27 = arith.constant 0 : i32
      %dma_start3A_28 = arith.constant 0 : i32
      %dma_start3A_29 = tpu.memref_slice %arg2[%arg0, %arg1, %dma_start3A_27, %dma_start3A_28] : memref<2x16x80x128xi32, #tpu.memory_space<hbm>> -> memref<1x1x80x128xi32, #tpu.memory_space<hbm>>
      %dma_start3A_30 = tpu.memref_squeeze %dma_start3A_29 : memref<1x1x80x128xi32, #tpu.memory_space<hbm>> -> memref<80x128xi32, #tpu.memory_space<hbm>>
      tpu.enqueue_dma source(%dma_start3A_30 : memref<80x128xi32, #tpu.memory_space<hbm>>) target(%arg6 : memref<80x128xi32, #tpu.memory_space<vmem>>) target_semaphore(%run_scoped3A : memref<!tpu.dma_semaphore, #tpu.memory_space<semaphore_mem>>)
      %dma_wait3A = arith.constant 0 : i32
      %dma_wait3A_31 = arith.constant 0 : i32
      %dma_wait3A_32 = tpu.memref_slice %arg2[%arg0, %arg1, %dma_wait3A, %dma_wait3A_31] : memref<2x16x80x128xi32, #tpu.memory_space<hbm>> -> memref<1x1x80x128xi32, #tpu.memory_space<hbm>>
      %dma_wait3A_33 = tpu.memref_squeeze %dma_wait3A_32 : memref<1x1x80x128xi32, #tpu.memory_space<hbm>> -> memref<80x128xi32, #tpu.memory_space<hbm>>
      %dma_wait3A_34 = arith.constant 0 : i32
      %dma_wait3A_35 = arith.constant 0 : i32
      %dma_wait3A_36 = tpu.memref_slice %arg2[%arg0, %arg1, %dma_wait3A_34, %dma_wait3A_35] : memref<2x16x80x128xi32, #tpu.memory_space<hbm>> -> memref<1x1x80x128xi32, #tpu.memory_space<hbm>>
      %dma_wait3A_37 = tpu.memref_squeeze %dma_wait3A_36 : memref<1x1x80x128xi32, #tpu.memory_space<hbm>> -> memref<80x128xi32, #tpu.memory_space<hbm>>
      tpu.wait_dma2 semaphore(%run_scoped3A : memref<!tpu.dma_semaphore, #tpu.memory_space<semaphore_mem>>) src(%dma_wait3A_37 : memref<80x128xi32, #tpu.memory_space<hbm>>) dst(%arg6 : memref<80x128xi32, #tpu.memory_space<vmem>>)
      tpu.yield
    }) : () -> ()
    "tpu.region"() ({
      %run_scoped3A = tpu.sem_alloc : memref<!tpu.dma_semaphore, #tpu.memory_space<semaphore_mem>>
      tpu.enqueue_dma source(%arg3 : memref<128x8xf32, #tpu.memory_space<hbm>>) target(%arg7 : memref<128x8xf32, #tpu.memory_space<vmem>>) target_semaphore(%run_scoped3A : memref<!tpu.dma_semaphore, #tpu.memory_space<semaphore_mem>>)
      tpu.wait_dma2 semaphore(%run_scoped3A : memref<!tpu.dma_semaphore, #tpu.memory_space<semaphore_mem>>) src(%arg3 : memref<128x8xf32, #tpu.memory_space<hbm>>) dst(%arg7 : memref<128x8xf32, #tpu.memory_space<vmem>>)
      tpu.yield
    }) : () -> ()
    "tpu.region"() ({
      %run_scoped3A = tpu.sem_alloc : memref<!tpu.dma_semaphore, #tpu.memory_space<semaphore_mem>>
      tpu.enqueue_dma source(%arg4 : memref<128x8xf32, #tpu.memory_space<hbm>>) target(%arg8 : memref<128x8xf32, #tpu.memory_space<vmem>>) target_semaphore(%run_scoped3A : memref<!tpu.dma_semaphore, #tpu.memory_space<semaphore_mem>>)
      tpu.wait_dma2 semaphore(%run_scoped3A : memref<!tpu.dma_semaphore, #tpu.memory_space<semaphore_mem>>) src(%arg4 : memref<128x8xf32, #tpu.memory_space<hbm>>) dst(%arg8 : memref<128x8xf32, #tpu.memory_space<vmem>>)
      tpu.yield
    }) : () -> ()
    %scan3A = arith.constant 0 : i32
    %scan3A_0 = arith.constant 0 : i32
    %scan3A_1 = arith.constant 4 : i32
    %scan3A_2 = arith.addi %scan3A_0, %scan3A_1 : i32
    %scan3A_3 = arith.constant 1 : i32
    scf.for %scan3A_24 = %scan3A_0 to %scan3A_2 step %scan3A_3  : i32 {
      %mul3A_25 = arith.constant 626 : i32
      %mul3A_26 = arith.muli %arg1, %mul3A_25 : i32
      %mul3A_27 = arith.constant 128 : i32
      %mul3A_28 = arith.muli %scan3A_24, %mul3A_27 : i32
      %add3A_29 = arith.addi %mul3A_26, %mul3A_28 : i32
      "tpu.region"() ({
        %run_scoped3A = tpu.sem_alloc : memref<!tpu.dma_semaphore, #tpu.memory_space<semaphore_mem>>
        %dma_start3A = arith.constant 0 : i32
        %dma_start3A_30 = tpu.memref_slice %arg9[%add3A_29, %dma_start3A] : memref<10016x8xf32, #tpu.memory_space<vmem_shared>> -> memref<128x8xf32, #tpu.memory_space<vmem_shared>>
        %dma_start3A_31 = arith.constant 0 : i32
        %dma_start3A_32 = tpu.memref_slice %arg9[%add3A_29, %dma_start3A_31] : memref<10016x8xf32, #tpu.memory_space<vmem_shared>> -> memref<128x8xf32, #tpu.memory_space<vmem_shared>>
        tpu.enqueue_dma source(%arg7 : memref<128x8xf32, #tpu.memory_space<vmem>>) target(%dma_start3A_32 : memref<128x8xf32, #tpu.memory_space<vmem_shared>>) target_semaphore(%run_scoped3A : memref<!tpu.dma_semaphore, #tpu.memory_space<semaphore_mem>>)
        %dma_wait3A = arith.constant 0 : i32
        %dma_wait3A_33 = tpu.memref_slice %arg9[%add3A_29, %dma_wait3A] : memref<10016x8xf32, #tpu.memory_space<vmem_shared>> -> memref<128x8xf32, #tpu.memory_space<vmem_shared>>
        %dma_wait3A_34 = arith.constant 0 : i32
        %dma_wait3A_35 = tpu.memref_slice %arg9[%add3A_29, %dma_wait3A_34] : memref<10016x8xf32, #tpu.memory_space<vmem_shared>> -> memref<128x8xf32, #tpu.memory_space<vmem_shared>>
        tpu.wait_dma2 semaphore(%run_scoped3A : memref<!tpu.dma_semaphore, #tpu.memory_space<semaphore_mem>>) src(%arg7 : memref<128x8xf32, #tpu.memory_space<vmem>>) dst(%dma_wait3A_35 : memref<128x8xf32, #tpu.memory_space<vmem_shared>>)
        tpu.yield
      }) : () -> ()
    }
    %scan3A_4 = arith.constant 4 : i32
    %mul3A = arith.constant 626 : i32
    %mul3A_5 = arith.muli %arg1, %mul3A : i32
    %add3A = arith.constant 512 : i32
    %add3A_6 = arith.addi %mul3A_5, %add3A : i32
    "tpu.region"() ({
      %run_scoped3A = tpu.sem_alloc : memref<!tpu.dma_semaphore, #tpu.memory_space<semaphore_mem>>
      %dma_start3A = arith.constant 0 : i32
      %dma_start3A_24 = arith.constant 0 : i32
      %dma_start3A_25 = tpu.memref_slice %arg7[%dma_start3A, %dma_start3A_24] : memref<128x8xf32, #tpu.memory_space<vmem>> -> memref<114x8xf32, #tpu.memory_space<vmem>>
      %dma_start3A_26 = arith.constant 0 : i32
      %dma_start3A_27 = tpu.memref_slice %arg9[%add3A_6, %dma_start3A_26] : memref<10016x8xf32, #tpu.memory_space<vmem_shared>> -> memref<114x8xf32, #tpu.memory_space<vmem_shared>>
      %dma_start3A_28 = arith.constant 0 : i32
      %dma_start3A_29 = tpu.memref_slice %arg9[%add3A_6, %dma_start3A_28] : memref<10016x8xf32, #tpu.memory_space<vmem_shared>> -> memref<114x8xf32, #tpu.memory_space<vmem_shared>>
      %dma_start3A_30 = arith.constant 0 : i32
      %dma_start3A_31 = arith.constant 0 : i32
      %dma_start3A_32 = tpu.memref_slice %arg7[%dma_start3A_30, %dma_start3A_31] : memref<128x8xf32, #tpu.memory_space<vmem>> -> memref<114x8xf32, #tpu.memory_space<vmem>>
      tpu.enqueue_dma source(%dma_start3A_32 : memref<114x8xf32, #tpu.memory_space<vmem>>) target(%dma_start3A_29 : memref<114x8xf32, #tpu.memory_space<vmem_shared>>) target_semaphore(%run_scoped3A : memref<!tpu.dma_semaphore, #tpu.memory_space<semaphore_mem>>)
      %dma_wait3A = arith.constant 0 : i32
      %dma_wait3A_33 = arith.constant 0 : i32
      %dma_wait3A_34 = tpu.memref_slice %arg7[%dma_wait3A, %dma_wait3A_33] : memref<128x8xf32, #tpu.memory_space<vmem>> -> memref<114x8xf32, #tpu.memory_space<vmem>>
      %dma_wait3A_35 = arith.constant 0 : i32
      %dma_wait3A_36 = tpu.memref_slice %arg9[%add3A_6, %dma_wait3A_35] : memref<10016x8xf32, #tpu.memory_space<vmem_shared>> -> memref<114x8xf32, #tpu.memory_space<vmem_shared>>
      %dma_wait3A_37 = arith.constant 0 : i32
      %dma_wait3A_38 = tpu.memref_slice %arg9[%add3A_6, %dma_wait3A_37] : memref<10016x8xf32, #tpu.memory_space<vmem_shared>> -> memref<114x8xf32, #tpu.memory_space<vmem_shared>>
      %dma_wait3A_39 = arith.constant 0 : i32
      %dma_wait3A_40 = arith.constant 0 : i32
      %dma_wait3A_41 = tpu.memref_slice %arg7[%dma_wait3A_39, %dma_wait3A_40] : memref<128x8xf32, #tpu.memory_space<vmem>> -> memref<114x8xf32, #tpu.memory_space<vmem>>
      tpu.wait_dma2 semaphore(%run_scoped3A : memref<!tpu.dma_semaphore, #tpu.memory_space<semaphore_mem>>) src(%dma_wait3A_41 : memref<114x8xf32, #tpu.memory_space<vmem>>) dst(%dma_wait3A_38 : memref<114x8xf32, #tpu.memory_space<vmem_shared>>)
      tpu.yield
    }) : () -> ()
    %barrier3A = arith.constant 0 : index
    tpu.barrier barrier_id(%barrier3A)
    %scan3A_7 = arith.constant 0 : i32
    %scan3A_8 = arith.constant 0 : i32
    %scan3A_9 = arith.constant 80 : i32
    %scan3A_10 = arith.addi %scan3A_8, %scan3A_9 : i32
    %scan3A_11 = arith.constant 1 : i32
    scf.for %scan3A_24 = %scan3A_8 to %scan3A_10 step %scan3A_11  : i32 {
      "tpu.region"() ({
        %run_scoped3A = tpu.sem_alloc : memref<!tpu.dma_semaphore, #tpu.memory_space<semaphore_mem>>
        %dma_start3A = arith.constant 0 : i32
        %dma_start3A_25 = tpu.memref_slice %arg6[%scan3A_24, %dma_start3A] : memref<80x128xi32, #tpu.memory_space<vmem>> -> memref<1x128xi32, #tpu.memory_space<vmem>>
        %dma_start3A_26 = tpu.memref_squeeze %dma_start3A_25 : memref<1x128xi32, #tpu.memory_space<vmem>> -> memref<128xi32, #tpu.memory_space<vmem>>
        %dma_start3A_27 = arith.constant 0 : i32
        %dma_start3A_28 = arith.constant 0 : i32
        %dma_start3A_29 = tpu.memref_slice %arg9[%dma_start3A_27, %dma_start3A_28] : memref<10016x8xf32, #tpu.memory_space<vmem_shared>> -> memref<10016x8xf32, #tpu.memory_space<vmem_shared>>
        tpu.enqueue_indirect_dma source(%arg8 : memref<128x8xf32, #tpu.memory_space<vmem>>) target(%dma_start3A_29 : memref<10016x8xf32, #tpu.memory_space<vmem_shared>>) offsets(%dma_start3A_26 : memref<128xi32, #tpu.memory_space<vmem>>) semaphore(%run_scoped3A : memref<!tpu.dma_semaphore, #tpu.memory_space<semaphore_mem>>) {add = true}
        %dma_wait3A = arith.constant 0 : i32
        %dma_wait3A_30 = tpu.memref_slice %arg6[%scan3A_24, %dma_wait3A] : memref<80x128xi32, #tpu.memory_space<vmem>> -> memref<1x128xi32, #tpu.memory_space<vmem>>
        %dma_wait3A_31 = tpu.memref_squeeze %dma_wait3A_30 : memref<1x128xi32, #tpu.memory_space<vmem>> -> memref<128xi32, #tpu.memory_space<vmem>>
        %dma_wait3A_32 = arith.constant 0 : i32
        %dma_wait3A_33 = arith.constant 0 : i32
        %dma_wait3A_34 = tpu.memref_slice %arg9[%dma_wait3A_32, %dma_wait3A_33] : memref<10016x8xf32, #tpu.memory_space<vmem_shared>> -> memref<10016x8xf32, #tpu.memory_space<vmem_shared>>
        tpu.wait_indirect_dma semaphore(%run_scoped3A : memref<!tpu.dma_semaphore, #tpu.memory_space<semaphore_mem>>) src(%arg8 : memref<128x8xf32, #tpu.memory_space<vmem>>) dst(%dma_wait3A_34 : memref<10016x8xf32, #tpu.memory_space<vmem_shared>>)
        tpu.yield
      }) : () -> ()
    }
    %scan3A_12 = arith.constant 80 : i32
    %barrier3A_13 = arith.constant 0 : index
    tpu.barrier barrier_id(%barrier3A_13)
    %scan3A_14 = arith.constant 0 : i32
    %scan3A_15 = arith.constant 0 : i32
    %scan3A_16 = arith.constant 4 : i32
    %scan3A_17 = arith.addi %scan3A_15, %scan3A_16 : i32
    %scan3A_18 = arith.constant 1 : i32
    scf.for %scan3A_24 = %scan3A_15 to %scan3A_17 step %scan3A_18  : i32 {
      %mul3A_25 = arith.constant 626 : i32
      %mul3A_26 = arith.muli %arg1, %mul3A_25 : i32
      %mul3A_27 = arith.constant 128 : i32
      %mul3A_28 = arith.muli %scan3A_24, %mul3A_27 : i32
      %add3A_29 = arith.addi %mul3A_26, %mul3A_28 : i32
      "tpu.region"() ({
        %run_scoped3A = tpu.sem_alloc : memref<!tpu.dma_semaphore, #tpu.memory_space<semaphore_mem>>
        %dma_start3A = arith.constant 0 : i32
        %dma_start3A_32 = tpu.memref_slice %arg9[%add3A_29, %dma_start3A] : memref<10016x8xf32, #tpu.memory_space<vmem_shared>> -> memref<128x8xf32, #tpu.memory_space<vmem_shared>>
        %dma_start3A_33 = arith.constant 0 : i32
        %dma_start3A_34 = tpu.memref_slice %arg9[%add3A_29, %dma_start3A_33] : memref<10016x8xf32, #tpu.memory_space<vmem_shared>> -> memref<128x8xf32, #tpu.memory_space<vmem_shared>>
        tpu.enqueue_dma source(%dma_start3A_34 : memref<128x8xf32, #tpu.memory_space<vmem_shared>>) target(%arg7 : memref<128x8xf32, #tpu.memory_space<vmem>>) target_semaphore(%run_scoped3A : memref<!tpu.dma_semaphore, #tpu.memory_space<semaphore_mem>>)
        %dma_wait3A = arith.constant 0 : i32
        %dma_wait3A_35 = tpu.memref_slice %arg9[%add3A_29, %dma_wait3A] : memref<10016x8xf32, #tpu.memory_space<vmem_shared>> -> memref<128x8xf32, #tpu.memory_space<vmem_shared>>
        %dma_wait3A_36 = arith.constant 0 : i32
        %dma_wait3A_37 = tpu.memref_slice %arg9[%add3A_29, %dma_wait3A_36] : memref<10016x8xf32, #tpu.memory_space<vmem_shared>> -> memref<128x8xf32, #tpu.memory_space<vmem_shared>>
        tpu.wait_dma2 semaphore(%run_scoped3A : memref<!tpu.dma_semaphore, #tpu.memory_space<semaphore_mem>>) src(%dma_wait3A_37 : memref<128x8xf32, #tpu.memory_space<vmem_shared>>) dst(%arg7 : memref<128x8xf32, #tpu.memory_space<vmem>>)
        tpu.yield
      }) : () -> ()
      %mul3A_30 = arith.constant 128 : i32
      %mul3A_31 = arith.muli %scan3A_24, %mul3A_30 : i32
      "tpu.region"() ({
        %run_scoped3A = tpu.sem_alloc : memref<!tpu.dma_semaphore, #tpu.memory_space<semaphore_mem>>
        %dma_start3A = arith.constant 0 : i32
        %dma_start3A_32 = tpu.memref_slice %arg5[%arg0, %arg1, %mul3A_31, %dma_start3A] : memref<2x16x626x8xf32, #tpu.memory_space<hbm>> -> memref<1x1x128x8xf32, #tpu.memory_space<hbm>>
        %dma_start3A_33 = tpu.memref_squeeze %dma_start3A_32 : memref<1x1x128x8xf32, #tpu.memory_space<hbm>> -> memref<128x8xf32, #tpu.memory_space<hbm>>
        %dma_start3A_34 = arith.constant 0 : i32
        %dma_start3A_35 = tpu.memref_slice %arg5[%arg0, %arg1, %mul3A_31, %dma_start3A_34] : memref<2x16x626x8xf32, #tpu.memory_space<hbm>> -> memref<1x1x128x8xf32, #tpu.memory_space<hbm>>
        %dma_start3A_36 = tpu.memref_squeeze %dma_start3A_35 : memref<1x1x128x8xf32, #tpu.memory_space<hbm>> -> memref<128x8xf32, #tpu.memory_space<hbm>>
        tpu.enqueue_dma source(%arg7 : memref<128x8xf32, #tpu.memory_space<vmem>>) target(%dma_start3A_36 : memref<128x8xf32, #tpu.memory_space<hbm>>) target_semaphore(%run_scoped3A : memref<!tpu.dma_semaphore, #tpu.memory_space<semaphore_mem>>)
        %dma_wait3A = arith.constant 0 : i32
        %dma_wait3A_37 = tpu.memref_slice %arg5[%arg0, %arg1, %mul3A_31, %dma_wait3A] : memref<2x16x626x8xf32, #tpu.memory_space<hbm>> -> memref<1x1x128x8xf32, #tpu.memory_space<hbm>>
        %dma_wait3A_38 = tpu.memref_squeeze %dma_wait3A_37 : memref<1x1x128x8xf32, #tpu.memory_space<hbm>> -> memref<128x8xf32, #tpu.memory_space<hbm>>
        %dma_wait3A_39 = arith.constant 0 : i32
        %dma_wait3A_40 = tpu.memref_slice %arg5[%arg0, %arg1, %mul3A_31, %dma_wait3A_39] : memref<2x16x626x8xf32, #tpu.memory_space<hbm>> -> memref<1x1x128x8xf32, #tpu.memory_space<hbm>>
        %dma_wait3A_41 = tpu.memref_squeeze %dma_wait3A_40 : memref<1x1x128x8xf32, #tpu.memory_space<hbm>> -> memref<128x8xf32, #tpu.memory_space<hbm>>
        tpu.wait_dma2 semaphore(%run_scoped3A : memref<!tpu.dma_semaphore, #tpu.memory_space<semaphore_mem>>) src(%arg7 : memref<128x8xf32, #tpu.memory_space<vmem>>) dst(%dma_wait3A_41 : memref<128x8xf32, #tpu.memory_space<hbm>>)
        tpu.yield
      }) : () -> ()
    }
    %scan3A_19 = arith.constant 4 : i32
    %mul3A_20 = arith.constant 626 : i32
    %mul3A_21 = arith.muli %arg1, %mul3A_20 : i32
    %add3A_22 = arith.constant 512 : i32
    %add3A_23 = arith.addi %mul3A_21, %add3A_22 : i32
    "tpu.region"() ({
      %run_scoped3A = tpu.sem_alloc : memref<!tpu.dma_semaphore, #tpu.memory_space<semaphore_mem>>
      %dma_start3A = arith.constant 0 : i32
      %dma_start3A_24 = arith.constant 0 : i32
      %dma_start3A_25 = tpu.memref_slice %arg7[%dma_start3A, %dma_start3A_24] : memref<128x8xf32, #tpu.memory_space<vmem>> -> memref<114x8xf32, #tpu.memory_space<vmem>>
      %dma_start3A_26 = arith.constant 0 : i32
      %dma_start3A_27 = tpu.memref_slice %arg9[%add3A_23, %dma_start3A_26] : memref<10016x8xf32, #tpu.memory_space<vmem_shared>> -> memref<114x8xf32, #tpu.memory_space<vmem_shared>>
      %dma_start3A_28 = arith.constant 0 : i32
      %dma_start3A_29 = arith.constant 0 : i32
      %dma_start3A_30 = tpu.memref_slice %arg7[%dma_start3A_28, %dma_start3A_29] : memref<128x8xf32, #tpu.memory_space<vmem>> -> memref<114x8xf32, #tpu.memory_space<vmem>>
      %dma_start3A_31 = arith.constant 0 : i32
      %dma_start3A_32 = tpu.memref_slice %arg9[%add3A_23, %dma_start3A_31] : memref<10016x8xf32, #tpu.memory_space<vmem_shared>> -> memref<114x8xf32, #tpu.memory_space<vmem_shared>>
      tpu.enqueue_dma source(%dma_start3A_32 : memref<114x8xf32, #tpu.memory_space<vmem_shared>>) target(%dma_start3A_30 : memref<114x8xf32, #tpu.memory_space<vmem>>) target_semaphore(%run_scoped3A : memref<!tpu.dma_semaphore, #tpu.memory_space<semaphore_mem>>)
      %dma_wait3A = arith.constant 0 : i32
      %dma_wait3A_33 = arith.constant 0 : i32
      %dma_wait3A_34 = tpu.memref_slice %arg7[%dma_wait3A, %dma_wait3A_33] : memref<128x8xf32, #tpu.memory_space<vmem>> -> memref<114x8xf32, #tpu.memory_space<vmem>>
      %dma_wait3A_35 = arith.constant 0 : i32
      %dma_wait3A_36 = tpu.memref_slice %arg9[%add3A_23, %dma_wait3A_35] : memref<10016x8xf32, #tpu.memory_space<vmem_shared>> -> memref<114x8xf32, #tpu.memory_space<vmem_shared>>
      %dma_wait3A_37 = arith.constant 0 : i32
      %dma_wait3A_38 = arith.constant 0 : i32
      %dma_wait3A_39 = tpu.memref_slice %arg7[%dma_wait3A_37, %dma_wait3A_38] : memref<128x8xf32, #tpu.memory_space<vmem>> -> memref<114x8xf32, #tpu.memory_space<vmem>>
      %dma_wait3A_40 = arith.constant 0 : i32
      %dma_wait3A_41 = tpu.memref_slice %arg9[%add3A_23, %dma_wait3A_40] : memref<10016x8xf32, #tpu.memory_space<vmem_shared>> -> memref<114x8xf32, #tpu.memory_space<vmem_shared>>
      tpu.wait_dma2 semaphore(%run_scoped3A : memref<!tpu.dma_semaphore, #tpu.memory_space<semaphore_mem>>) src(%dma_wait3A_41 : memref<114x8xf32, #tpu.memory_space<vmem_shared>>) dst(%dma_wait3A_39 : memref<114x8xf32, #tpu.memory_space<vmem>>)
      tpu.yield
    }) : () -> ()
    "tpu.region"() ({
      %run_scoped3A = tpu.sem_alloc : memref<!tpu.dma_semaphore, #tpu.memory_space<semaphore_mem>>
      %dma_start3A = arith.constant 0 : i32
      %dma_start3A_24 = arith.constant 0 : i32
      %dma_start3A_25 = tpu.memref_slice %arg7[%dma_start3A, %dma_start3A_24] : memref<128x8xf32, #tpu.memory_space<vmem>> -> memref<114x8xf32, #tpu.memory_space<vmem>>
      %dma_start3A_26 = arith.constant 512 : i32
      %dma_start3A_27 = arith.constant 0 : i32
      %dma_start3A_28 = tpu.memref_slice %arg5[%arg0, %arg1, %dma_start3A_26, %dma_start3A_27] : memref<2x16x626x8xf32, #tpu.memory_space<hbm>> -> memref<1x1x114x8xf32, #tpu.memory_space<hbm>>
      %dma_start3A_29 = tpu.memref_squeeze %dma_start3A_28 : memref<1x1x114x8xf32, #tpu.memory_space<hbm>> -> memref<114x8xf32, #tpu.memory_space<hbm>>
      %dma_start3A_30 = arith.constant 512 : i32
      %dma_start3A_31 = arith.constant 0 : i32
      %dma_start3A_32 = tpu.memref_slice %arg5[%arg0, %arg1, %dma_start3A_30, %dma_start3A_31] : memref<2x16x626x8xf32, #tpu.memory_space<hbm>> -> memref<1x1x114x8xf32, #tpu.memory_space<hbm>>
      %dma_start3A_33 = tpu.memref_squeeze %dma_start3A_32 : memref<1x1x114x8xf32, #tpu.memory_space<hbm>> -> memref<114x8xf32, #tpu.memory_space<hbm>>
      %dma_start3A_34 = arith.constant 0 : i32
      %dma_start3A_35 = arith.constant 0 : i32
      %dma_start3A_36 = tpu.memref_slice %arg7[%dma_start3A_34, %dma_start3A_35] : memref<128x8xf32, #tpu.memory_space<vmem>> -> memref<114x8xf32, #tpu.memory_space<vmem>>
      tpu.enqueue_dma source(%dma_start3A_36 : memref<114x8xf32, #tpu.memory_space<vmem>>) target(%dma_start3A_33 : memref<114x8xf32, #tpu.memory_space<hbm>>) target_semaphore(%run_scoped3A : memref<!tpu.dma_semaphore, #tpu.memory_space<semaphore_mem>>)
      %dma_wait3A = arith.constant 0 : i32
      %dma_wait3A_37 = arith.constant 0 : i32
      %dma_wait3A_38 = tpu.memref_slice %arg7[%dma_wait3A, %dma_wait3A_37] : memref<128x8xf32, #tpu.memory_space<vmem>> -> memref<114x8xf32, #tpu.memory_space<vmem>>
      %dma_wait3A_39 = arith.constant 512 : i32
      %dma_wait3A_40 = arith.constant 0 : i32
      %dma_wait3A_41 = tpu.memref_slice %arg5[%arg0, %arg1, %dma_wait3A_39, %dma_wait3A_40] : memref<2x16x626x8xf32, #tpu.memory_space<hbm>> -> memref<1x1x114x8xf32, #tpu.memory_space<hbm>>
      %dma_wait3A_42 = tpu.memref_squeeze %dma_wait3A_41 : memref<1x1x114x8xf32, #tpu.memory_space<hbm>> -> memref<114x8xf32, #tpu.memory_space<hbm>>
      %dma_wait3A_43 = arith.constant 512 : i32
      %dma_wait3A_44 = arith.constant 0 : i32
      %dma_wait3A_45 = tpu.memref_slice %arg5[%arg0, %arg1, %dma_wait3A_43, %dma_wait3A_44] : memref<2x16x626x8xf32, #tpu.memory_space<hbm>> -> memref<1x1x114x8xf32, #tpu.memory_space<hbm>>
      %dma_wait3A_46 = tpu.memref_squeeze %dma_wait3A_45 : memref<1x1x114x8xf32, #tpu.memory_space<hbm>> -> memref<114x8xf32, #tpu.memory_space<hbm>>
      %dma_wait3A_47 = arith.constant 0 : i32
      %dma_wait3A_48 = arith.constant 0 : i32
      %dma_wait3A_49 = tpu.memref_slice %arg7[%dma_wait3A_47, %dma_wait3A_48] : memref<128x8xf32, #tpu.memory_space<vmem>> -> memref<114x8xf32, #tpu.memory_space<vmem>>
      tpu.wait_dma2 semaphore(%run_scoped3A : memref<!tpu.dma_semaphore, #tpu.memory_space<semaphore_mem>>) src(%dma_wait3A_49 : memref<114x8xf32, #tpu.memory_space<vmem>>) dst(%dma_wait3A_46 : memref<114x8xf32, #tpu.memory_space<hbm>>)
      tpu.yield
    }) : () -> ()
    return
  }
}

#map = affine_map<(d0, d1) -> (0, 0)>
#map1 = affine_map<(d0, d1) -> (0, 0, 0, 0)>
#map2 = affine_map<(d0, d1) -> (0, 0, 0)>
module attributes {stable_mosaic.version = 14 : i64} {
  func.func @sc_agg(%arg0: i32, %arg1: i32, %arg2: memref<20000x64xf32, #tpu.memory_space<hbm>>, %arg3: memref<2x16x160x128xi32, #tpu.memory_space<hbm>>, %arg4: memref<16x160x128xi32, #tpu.memory_space<hbm>>, %arg5: memref<128x64xf32, #tpu.memory_space<hbm>>, %arg6: memref<2x16x626x64xf32, #tpu.memory_space<hbm>>, %arg7: memref<160x128xi32, #tpu.memory_space<vmem>>, %arg8: memref<160x128xi32, #tpu.memory_space<vmem>>, %arg9: memref<128x64xf32, #tpu.memory_space<vmem>>, %arg10: memref<128x64xf32, #tpu.memory_space<vmem>>, %arg11: memref<10016x64xf32, #tpu.memory_space<vmem_shared>>, %arg12: memref<!tpu.dma_semaphore, #tpu.memory_space<semaphore_mem>>, %arg13: memref<!tpu.dma_semaphore, #tpu.memory_space<semaphore_mem>>) attributes {dimension_semantics = [#tpu.dimension_semantics<core_parallel>, #tpu.dimension_semantics<subcore_parallel>], iteration_bounds = array<i64: 2, 16>, scalar_prefetch = 0 : i64, scratch_operands = 7 : i64, tpu.core_type = #tpu.core_type<sc_vector_subcore>, window_params = [{transform_indices = #map}, {transform_indices = #map1}, {transform_indices = #map2}, {transform_indices = #map}, {transform_indices = #map1}]} {
    "tpu.region"() ({
      %run_scoped3A = tpu.sem_alloc : memref<!tpu.dma_semaphore, #tpu.memory_space<semaphore_mem>>
      %dma_start3A_30 = arith.constant 0 : i32
      %dma_start3A_31 = arith.constant 0 : i32
      %dma_start3A_32 = tpu.memref_slice %arg3[%arg0, %arg1, %dma_start3A_30, %dma_start3A_31] : memref<2x16x160x128xi32, #tpu.memory_space<hbm>> -> memref<1x1x160x128xi32, #tpu.memory_space<hbm>>
      %dma_start3A_33 = tpu.memref_squeeze %dma_start3A_32 : memref<1x1x160x128xi32, #tpu.memory_space<hbm>> -> memref<160x128xi32, #tpu.memory_space<hbm>>
      %dma_start3A_34 = arith.constant 0 : i32
      %dma_start3A_35 = arith.constant 0 : i32
      %dma_start3A_36 = tpu.memref_slice %arg3[%arg0, %arg1, %dma_start3A_34, %dma_start3A_35] : memref<2x16x160x128xi32, #tpu.memory_space<hbm>> -> memref<1x1x160x128xi32, #tpu.memory_space<hbm>>
      %dma_start3A_37 = tpu.memref_squeeze %dma_start3A_36 : memref<1x1x160x128xi32, #tpu.memory_space<hbm>> -> memref<160x128xi32, #tpu.memory_space<hbm>>
      tpu.enqueue_dma source(%dma_start3A_37 : memref<160x128xi32, #tpu.memory_space<hbm>>) target(%arg7 : memref<160x128xi32, #tpu.memory_space<vmem>>) target_semaphore(%run_scoped3A : memref<!tpu.dma_semaphore, #tpu.memory_space<semaphore_mem>>)
      %dma_wait3A = arith.constant 0 : i32
      %dma_wait3A_38 = arith.constant 0 : i32
      %dma_wait3A_39 = tpu.memref_slice %arg3[%arg0, %arg1, %dma_wait3A, %dma_wait3A_38] : memref<2x16x160x128xi32, #tpu.memory_space<hbm>> -> memref<1x1x160x128xi32, #tpu.memory_space<hbm>>
      %dma_wait3A_40 = tpu.memref_squeeze %dma_wait3A_39 : memref<1x1x160x128xi32, #tpu.memory_space<hbm>> -> memref<160x128xi32, #tpu.memory_space<hbm>>
      %dma_wait3A_41 = arith.constant 0 : i32
      %dma_wait3A_42 = arith.constant 0 : i32
      %dma_wait3A_43 = tpu.memref_slice %arg3[%arg0, %arg1, %dma_wait3A_41, %dma_wait3A_42] : memref<2x16x160x128xi32, #tpu.memory_space<hbm>> -> memref<1x1x160x128xi32, #tpu.memory_space<hbm>>
      %dma_wait3A_44 = tpu.memref_squeeze %dma_wait3A_43 : memref<1x1x160x128xi32, #tpu.memory_space<hbm>> -> memref<160x128xi32, #tpu.memory_space<hbm>>
      tpu.wait_dma2 semaphore(%run_scoped3A : memref<!tpu.dma_semaphore, #tpu.memory_space<semaphore_mem>>) src(%dma_wait3A_44 : memref<160x128xi32, #tpu.memory_space<hbm>>) dst(%arg7 : memref<160x128xi32, #tpu.memory_space<vmem>>)
      tpu.yield
    }) : () -> ()
    "tpu.region"() ({
      %run_scoped3A = tpu.sem_alloc : memref<!tpu.dma_semaphore, #tpu.memory_space<semaphore_mem>>
      %dma_start3A_30 = arith.constant 0 : i32
      %dma_start3A_31 = arith.constant 0 : i32
      %dma_start3A_32 = tpu.memref_slice %arg4[%arg1, %dma_start3A_30, %dma_start3A_31] : memref<16x160x128xi32, #tpu.memory_space<hbm>> -> memref<1x160x128xi32, #tpu.memory_space<hbm>>
      %dma_start3A_33 = tpu.memref_squeeze %dma_start3A_32 : memref<1x160x128xi32, #tpu.memory_space<hbm>> -> memref<160x128xi32, #tpu.memory_space<hbm>>
      %dma_start3A_34 = arith.constant 0 : i32
      %dma_start3A_35 = arith.constant 0 : i32
      %dma_start3A_36 = tpu.memref_slice %arg4[%arg1, %dma_start3A_34, %dma_start3A_35] : memref<16x160x128xi32, #tpu.memory_space<hbm>> -> memref<1x160x128xi32, #tpu.memory_space<hbm>>
      %dma_start3A_37 = tpu.memref_squeeze %dma_start3A_36 : memref<1x160x128xi32, #tpu.memory_space<hbm>> -> memref<160x128xi32, #tpu.memory_space<hbm>>
      tpu.enqueue_dma source(%dma_start3A_37 : memref<160x128xi32, #tpu.memory_space<hbm>>) target(%arg8 : memref<160x128xi32, #tpu.memory_space<vmem>>) target_semaphore(%run_scoped3A : memref<!tpu.dma_semaphore, #tpu.memory_space<semaphore_mem>>)
      %dma_wait3A = arith.constant 0 : i32
      %dma_wait3A_38 = arith.constant 0 : i32
      %dma_wait3A_39 = tpu.memref_slice %arg4[%arg1, %dma_wait3A, %dma_wait3A_38] : memref<16x160x128xi32, #tpu.memory_space<hbm>> -> memref<1x160x128xi32, #tpu.memory_space<hbm>>
      %dma_wait3A_40 = tpu.memref_squeeze %dma_wait3A_39 : memref<1x160x128xi32, #tpu.memory_space<hbm>> -> memref<160x128xi32, #tpu.memory_space<hbm>>
      %dma_wait3A_41 = arith.constant 0 : i32
      %dma_wait3A_42 = arith.constant 0 : i32
      %dma_wait3A_43 = tpu.memref_slice %arg4[%arg1, %dma_wait3A_41, %dma_wait3A_42] : memref<16x160x128xi32, #tpu.memory_space<hbm>> -> memref<1x160x128xi32, #tpu.memory_space<hbm>>
      %dma_wait3A_44 = tpu.memref_squeeze %dma_wait3A_43 : memref<1x160x128xi32, #tpu.memory_space<hbm>> -> memref<160x128xi32, #tpu.memory_space<hbm>>
      tpu.wait_dma2 semaphore(%run_scoped3A : memref<!tpu.dma_semaphore, #tpu.memory_space<semaphore_mem>>) src(%dma_wait3A_44 : memref<160x128xi32, #tpu.memory_space<hbm>>) dst(%arg8 : memref<160x128xi32, #tpu.memory_space<vmem>>)
      tpu.yield
    }) : () -> ()
    "tpu.region"() ({
      %run_scoped3A = tpu.sem_alloc : memref<!tpu.dma_semaphore, #tpu.memory_space<semaphore_mem>>
      tpu.enqueue_dma source(%arg5 : memref<128x64xf32, #tpu.memory_space<hbm>>) target(%arg9 : memref<128x64xf32, #tpu.memory_space<vmem>>) target_semaphore(%run_scoped3A : memref<!tpu.dma_semaphore, #tpu.memory_space<semaphore_mem>>)
      tpu.wait_dma2 semaphore(%run_scoped3A : memref<!tpu.dma_semaphore, #tpu.memory_space<semaphore_mem>>) src(%arg5 : memref<128x64xf32, #tpu.memory_space<hbm>>) dst(%arg9 : memref<128x64xf32, #tpu.memory_space<vmem>>)
      tpu.yield
    }) : () -> ()
    %scan3A = arith.constant 0 : i32
    %scan3A_0 = arith.constant 0 : i32
    %scan3A_1 = arith.constant 4 : i32
    %scan3A_2 = arith.addi %scan3A_0, %scan3A_1 : i32
    %scan3A_3 = arith.constant 1 : i32
    scf.for %scan3A_30 = %scan3A_0 to %scan3A_2 step %scan3A_3  : i32 {
      %mul3A_31 = arith.constant 626 : i32
      %mul3A_32 = arith.muli %arg1, %mul3A_31 : i32
      %mul3A_33 = arith.constant 128 : i32
      %mul3A_34 = arith.muli %scan3A_30, %mul3A_33 : i32
      %add3A_35 = arith.addi %mul3A_32, %mul3A_34 : i32
      "tpu.region"() ({
        %run_scoped3A = tpu.sem_alloc : memref<!tpu.dma_semaphore, #tpu.memory_space<semaphore_mem>>
        %dma_start3A_36 = arith.constant 0 : i32
        %dma_start3A_37 = tpu.memref_slice %arg11[%add3A_35, %dma_start3A_36] : memref<10016x64xf32, #tpu.memory_space<vmem_shared>> -> memref<128x64xf32, #tpu.memory_space<vmem_shared>>
        %dma_start3A_38 = arith.constant 0 : i32
        %dma_start3A_39 = tpu.memref_slice %arg11[%add3A_35, %dma_start3A_38] : memref<10016x64xf32, #tpu.memory_space<vmem_shared>> -> memref<128x64xf32, #tpu.memory_space<vmem_shared>>
        tpu.enqueue_dma source(%arg9 : memref<128x64xf32, #tpu.memory_space<vmem>>) target(%dma_start3A_39 : memref<128x64xf32, #tpu.memory_space<vmem_shared>>) target_semaphore(%run_scoped3A : memref<!tpu.dma_semaphore, #tpu.memory_space<semaphore_mem>>)
        %dma_wait3A = arith.constant 0 : i32
        %dma_wait3A_40 = tpu.memref_slice %arg11[%add3A_35, %dma_wait3A] : memref<10016x64xf32, #tpu.memory_space<vmem_shared>> -> memref<128x64xf32, #tpu.memory_space<vmem_shared>>
        %dma_wait3A_41 = arith.constant 0 : i32
        %dma_wait3A_42 = tpu.memref_slice %arg11[%add3A_35, %dma_wait3A_41] : memref<10016x64xf32, #tpu.memory_space<vmem_shared>> -> memref<128x64xf32, #tpu.memory_space<vmem_shared>>
        tpu.wait_dma2 semaphore(%run_scoped3A : memref<!tpu.dma_semaphore, #tpu.memory_space<semaphore_mem>>) src(%arg9 : memref<128x64xf32, #tpu.memory_space<vmem>>) dst(%dma_wait3A_42 : memref<128x64xf32, #tpu.memory_space<vmem_shared>>)
        tpu.yield
      }) : () -> ()
    }
    %scan3A_4 = arith.constant 4 : i32
    %mul3A = arith.constant 626 : i32
    %mul3A_5 = arith.muli %arg1, %mul3A : i32
    %add3A = arith.constant 512 : i32
    %add3A_6 = arith.addi %mul3A_5, %add3A : i32
    "tpu.region"() ({
      %run_scoped3A = tpu.sem_alloc : memref<!tpu.dma_semaphore, #tpu.memory_space<semaphore_mem>>
      %dma_start3A_30 = arith.constant 0 : i32
      %dma_start3A_31 = arith.constant 0 : i32
      %dma_start3A_32 = tpu.memref_slice %arg9[%dma_start3A_30, %dma_start3A_31] : memref<128x64xf32, #tpu.memory_space<vmem>> -> memref<114x64xf32, #tpu.memory_space<vmem>>
      %dma_start3A_33 = arith.constant 0 : i32
      %dma_start3A_34 = tpu.memref_slice %arg11[%add3A_6, %dma_start3A_33] : memref<10016x64xf32, #tpu.memory_space<vmem_shared>> -> memref<114x64xf32, #tpu.memory_space<vmem_shared>>
      %dma_start3A_35 = arith.constant 0 : i32
      %dma_start3A_36 = tpu.memref_slice %arg11[%add3A_6, %dma_start3A_35] : memref<10016x64xf32, #tpu.memory_space<vmem_shared>> -> memref<114x64xf32, #tpu.memory_space<vmem_shared>>
      %dma_start3A_37 = arith.constant 0 : i32
      %dma_start3A_38 = arith.constant 0 : i32
      %dma_start3A_39 = tpu.memref_slice %arg9[%dma_start3A_37, %dma_start3A_38] : memref<128x64xf32, #tpu.memory_space<vmem>> -> memref<114x64xf32, #tpu.memory_space<vmem>>
      tpu.enqueue_dma source(%dma_start3A_39 : memref<114x64xf32, #tpu.memory_space<vmem>>) target(%dma_start3A_36 : memref<114x64xf32, #tpu.memory_space<vmem_shared>>) target_semaphore(%run_scoped3A : memref<!tpu.dma_semaphore, #tpu.memory_space<semaphore_mem>>)
      %dma_wait3A = arith.constant 0 : i32
      %dma_wait3A_40 = arith.constant 0 : i32
      %dma_wait3A_41 = tpu.memref_slice %arg9[%dma_wait3A, %dma_wait3A_40] : memref<128x64xf32, #tpu.memory_space<vmem>> -> memref<114x64xf32, #tpu.memory_space<vmem>>
      %dma_wait3A_42 = arith.constant 0 : i32
      %dma_wait3A_43 = tpu.memref_slice %arg11[%add3A_6, %dma_wait3A_42] : memref<10016x64xf32, #tpu.memory_space<vmem_shared>> -> memref<114x64xf32, #tpu.memory_space<vmem_shared>>
      %dma_wait3A_44 = arith.constant 0 : i32
      %dma_wait3A_45 = tpu.memref_slice %arg11[%add3A_6, %dma_wait3A_44] : memref<10016x64xf32, #tpu.memory_space<vmem_shared>> -> memref<114x64xf32, #tpu.memory_space<vmem_shared>>
      %dma_wait3A_46 = arith.constant 0 : i32
      %dma_wait3A_47 = arith.constant 0 : i32
      %dma_wait3A_48 = tpu.memref_slice %arg9[%dma_wait3A_46, %dma_wait3A_47] : memref<128x64xf32, #tpu.memory_space<vmem>> -> memref<114x64xf32, #tpu.memory_space<vmem>>
      tpu.wait_dma2 semaphore(%run_scoped3A : memref<!tpu.dma_semaphore, #tpu.memory_space<semaphore_mem>>) src(%dma_wait3A_48 : memref<114x64xf32, #tpu.memory_space<vmem>>) dst(%dma_wait3A_45 : memref<114x64xf32, #tpu.memory_space<vmem_shared>>)
      tpu.yield
    }) : () -> ()
    %barrier3A = arith.constant 0 : index
    tpu.barrier barrier_id(%barrier3A)
    %dma_start3A = arith.constant 0 : i32
    %dma_start3A_7 = arith.constant 0 : i32
    %dma_start3A_8 = tpu.memref_slice %arg7[%dma_start3A, %dma_start3A_7] : memref<160x128xi32, #tpu.memory_space<vmem>> -> memref<1x128xi32, #tpu.memory_space<vmem>>
    %dma_start3A_9 = tpu.memref_squeeze %dma_start3A_8 : memref<1x128xi32, #tpu.memory_space<vmem>> -> memref<128xi32, #tpu.memory_space<vmem>>
    %dma_start3A_10 = arith.constant 0 : i32
    %dma_start3A_11 = arith.constant 0 : i32
    %dma_start3A_12 = tpu.memref_slice %arg2[%dma_start3A_10, %dma_start3A_11] : memref<20000x64xf32, #tpu.memory_space<hbm>> -> memref<20000x64xf32, #tpu.memory_space<hbm>>
    tpu.enqueue_indirect_dma source(%dma_start3A_12 : memref<20000x64xf32, #tpu.memory_space<hbm>>) target(%arg9 : memref<128x64xf32, #tpu.memory_space<vmem>>) offsets(%dma_start3A_9 : memref<128xi32, #tpu.memory_space<vmem>>) semaphore(%arg12 : memref<!tpu.dma_semaphore, #tpu.memory_space<semaphore_mem>>)
    %scan3A_13 = arith.constant 0 : i32
    %scan3A_14 = arith.constant 0 : i32
    %scan3A_15 = arith.constant 80 : i32
    %scan3A_16 = arith.addi %scan3A_14, %scan3A_15 : i32
    %scan3A_17 = arith.constant 1 : i32
    scf.for %scan3A_30 = %scan3A_14 to %scan3A_16 step %scan3A_17  : i32 {
      %mul3A_31 = arith.constant 2 : i32
      %mul3A_32 = arith.muli %mul3A_31, %scan3A_30 : i32
      %add3A_33 = arith.constant 1 : i32
      %add3A_34 = arith.addi %mul3A_32, %add3A_33 : i32
      %dma_start3A_35 = arith.constant 0 : i32
      %dma_start3A_36 = tpu.memref_slice %arg7[%add3A_34, %dma_start3A_35] : memref<160x128xi32, #tpu.memory_space<vmem>> -> memref<1x128xi32, #tpu.memory_space<vmem>>
      %dma_start3A_37 = tpu.memref_squeeze %dma_start3A_36 : memref<1x128xi32, #tpu.memory_space<vmem>> -> memref<128xi32, #tpu.memory_space<vmem>>
      %dma_start3A_38 = arith.constant 0 : i32
      %dma_start3A_39 = arith.constant 0 : i32
      %dma_start3A_40 = tpu.memref_slice %arg2[%dma_start3A_38, %dma_start3A_39] : memref<20000x64xf32, #tpu.memory_space<hbm>> -> memref<20000x64xf32, #tpu.memory_space<hbm>>
      tpu.enqueue_indirect_dma source(%dma_start3A_40 : memref<20000x64xf32, #tpu.memory_space<hbm>>) target(%arg10 : memref<128x64xf32, #tpu.memory_space<vmem>>) offsets(%dma_start3A_37 : memref<128xi32, #tpu.memory_space<vmem>>) semaphore(%arg13 : memref<!tpu.dma_semaphore, #tpu.memory_space<semaphore_mem>>)
      %dma_wait3A = arith.constant 0 : i32
      %dma_wait3A_41 = tpu.memref_slice %arg7[%mul3A_32, %dma_wait3A] : memref<160x128xi32, #tpu.memory_space<vmem>> -> memref<1x128xi32, #tpu.memory_space<vmem>>
      %dma_wait3A_42 = tpu.memref_squeeze %dma_wait3A_41 : memref<1x128xi32, #tpu.memory_space<vmem>> -> memref<128xi32, #tpu.memory_space<vmem>>
      %dma_wait3A_43 = arith.constant 0 : i32
      %dma_wait3A_44 = arith.constant 0 : i32
      %dma_wait3A_45 = tpu.memref_slice %arg2[%dma_wait3A_43, %dma_wait3A_44] : memref<20000x64xf32, #tpu.memory_space<hbm>> -> memref<20000x64xf32, #tpu.memory_space<hbm>>
      tpu.wait_indirect_dma semaphore(%arg12 : memref<!tpu.dma_semaphore, #tpu.memory_space<semaphore_mem>>) src(%dma_wait3A_45 : memref<20000x64xf32, #tpu.memory_space<hbm>>) dst(%arg9 : memref<128x64xf32, #tpu.memory_space<vmem>>)
      "tpu.region"() ({
        %run_scoped3A = tpu.sem_alloc : memref<!tpu.dma_semaphore, #tpu.memory_space<semaphore_mem>>
        %dma_start3A_60 = arith.constant 0 : i32
        %dma_start3A_61 = tpu.memref_slice %arg8[%mul3A_32, %dma_start3A_60] : memref<160x128xi32, #tpu.memory_space<vmem>> -> memref<1x128xi32, #tpu.memory_space<vmem>>
        %dma_start3A_62 = tpu.memref_squeeze %dma_start3A_61 : memref<1x128xi32, #tpu.memory_space<vmem>> -> memref<128xi32, #tpu.memory_space<vmem>>
        %dma_start3A_63 = arith.constant 0 : i32
        %dma_start3A_64 = arith.constant 0 : i32
        %dma_start3A_65 = tpu.memref_slice %arg11[%dma_start3A_63, %dma_start3A_64] : memref<10016x64xf32, #tpu.memory_space<vmem_shared>> -> memref<10016x64xf32, #tpu.memory_space<vmem_shared>>
        tpu.enqueue_indirect_dma source(%arg9 : memref<128x64xf32, #tpu.memory_space<vmem>>) target(%dma_start3A_65 : memref<10016x64xf32, #tpu.memory_space<vmem_shared>>) offsets(%dma_start3A_62 : memref<128xi32, #tpu.memory_space<vmem>>) semaphore(%run_scoped3A : memref<!tpu.dma_semaphore, #tpu.memory_space<semaphore_mem>>) {add = true}
        %dma_wait3A_66 = arith.constant 0 : i32
        %dma_wait3A_67 = tpu.memref_slice %arg8[%mul3A_32, %dma_wait3A_66] : memref<160x128xi32, #tpu.memory_space<vmem>> -> memref<1x128xi32, #tpu.memory_space<vmem>>
        %dma_wait3A_68 = tpu.memref_squeeze %dma_wait3A_67 : memref<1x128xi32, #tpu.memory_space<vmem>> -> memref<128xi32, #tpu.memory_space<vmem>>
        %dma_wait3A_69 = arith.constant 0 : i32
        %dma_wait3A_70 = arith.constant 0 : i32
        %dma_wait3A_71 = tpu.memref_slice %arg11[%dma_wait3A_69, %dma_wait3A_70] : memref<10016x64xf32, #tpu.memory_space<vmem_shared>> -> memref<10016x64xf32, #tpu.memory_space<vmem_shared>>
        tpu.wait_indirect_dma semaphore(%run_scoped3A : memref<!tpu.dma_semaphore, #tpu.memory_space<semaphore_mem>>) src(%arg9 : memref<128x64xf32, #tpu.memory_space<vmem>>) dst(%dma_wait3A_71 : memref<10016x64xf32, #tpu.memory_space<vmem_shared>>)
        tpu.yield
      }) : () -> ()
      %add3A_46 = arith.constant 1 : i32
      %add3A_47 = arith.addi %scan3A_30, %add3A_46 : i32
      %lt3A = arith.constant 80 : i32
      %lt3A_48 = arith.cmpi slt, %add3A_47, %lt3A : i32
      %convert_element_type3A = arith.extui %lt3A_48 : i1 to i32
      %cond3A = arith.constant 0 : i32
      %cond3A_49 = arith.cmpi ne, %convert_element_type3A, %cond3A : i32
      scf.if %cond3A_49 {
        %add3A_60 = arith.constant 2 : i32
        %add3A_61 = arith.addi %mul3A_32, %add3A_60 : i32
        %dma_start3A_62 = arith.constant 0 : i32
        %dma_start3A_63 = tpu.memref_slice %arg7[%add3A_61, %dma_start3A_62] : memref<160x128xi32, #tpu.memory_space<vmem>> -> memref<1x128xi32, #tpu.memory_space<vmem>>
        %dma_start3A_64 = tpu.memref_squeeze %dma_start3A_63 : memref<1x128xi32, #tpu.memory_space<vmem>> -> memref<128xi32, #tpu.memory_space<vmem>>
        %dma_start3A_65 = arith.constant 0 : i32
        %dma_start3A_66 = arith.constant 0 : i32
        %dma_start3A_67 = tpu.memref_slice %arg2[%dma_start3A_65, %dma_start3A_66] : memref<20000x64xf32, #tpu.memory_space<hbm>> -> memref<20000x64xf32, #tpu.memory_space<hbm>>
        tpu.enqueue_indirect_dma source(%dma_start3A_67 : memref<20000x64xf32, #tpu.memory_space<hbm>>) target(%arg9 : memref<128x64xf32, #tpu.memory_space<vmem>>) offsets(%dma_start3A_64 : memref<128xi32, #tpu.memory_space<vmem>>) semaphore(%arg12 : memref<!tpu.dma_semaphore, #tpu.memory_space<semaphore_mem>>)
      } else {
      }
      %add3A_50 = arith.constant 1 : i32
      %add3A_51 = arith.addi %mul3A_32, %add3A_50 : i32
      %dma_wait3A_52 = arith.constant 0 : i32
      %dma_wait3A_53 = tpu.memref_slice %arg7[%add3A_51, %dma_wait3A_52] : memref<160x128xi32, #tpu.memory_space<vmem>> -> memref<1x128xi32, #tpu.memory_space<vmem>>
      %dma_wait3A_54 = tpu.memref_squeeze %dma_wait3A_53 : memref<1x128xi32, #tpu.memory_space<vmem>> -> memref<128xi32, #tpu.memory_space<vmem>>
      %dma_wait3A_55 = arith.constant 0 : i32
      %dma_wait3A_56 = arith.constant 0 : i32
      %dma_wait3A_57 = tpu.memref_slice %arg2[%dma_wait3A_55, %dma_wait3A_56] : memref<20000x64xf32, #tpu.memory_space<hbm>> -> memref<20000x64xf32, #tpu.memory_space<hbm>>
      tpu.wait_indirect_dma semaphore(%arg13 : memref<!tpu.dma_semaphore, #tpu.memory_space<semaphore_mem>>) src(%dma_wait3A_57 : memref<20000x64xf32, #tpu.memory_space<hbm>>) dst(%arg10 : memref<128x64xf32, #tpu.memory_space<vmem>>)
      %add3A_58 = arith.constant 1 : i32
      %add3A_59 = arith.addi %mul3A_32, %add3A_58 : i32
      "tpu.region"() ({
        %run_scoped3A = tpu.sem_alloc : memref<!tpu.dma_semaphore, #tpu.memory_space<semaphore_mem>>
        %dma_start3A_60 = arith.constant 0 : i32
        %dma_start3A_61 = tpu.memref_slice %arg8[%add3A_59, %dma_start3A_60] : memref<160x128xi32, #tpu.memory_space<vmem>> -> memref<1x128xi32, #tpu.memory_space<vmem>>
        %dma_start3A_62 = tpu.memref_squeeze %dma_start3A_61 : memref<1x128xi32, #tpu.memory_space<vmem>> -> memref<128xi32, #tpu.memory_space<vmem>>
        %dma_start3A_63 = arith.constant 0 : i32
        %dma_start3A_64 = arith.constant 0 : i32
        %dma_start3A_65 = tpu.memref_slice %arg11[%dma_start3A_63, %dma_start3A_64] : memref<10016x64xf32, #tpu.memory_space<vmem_shared>> -> memref<10016x64xf32, #tpu.memory_space<vmem_shared>>
        tpu.enqueue_indirect_dma source(%arg10 : memref<128x64xf32, #tpu.memory_space<vmem>>) target(%dma_start3A_65 : memref<10016x64xf32, #tpu.memory_space<vmem_shared>>) offsets(%dma_start3A_62 : memref<128xi32, #tpu.memory_space<vmem>>) semaphore(%run_scoped3A : memref<!tpu.dma_semaphore, #tpu.memory_space<semaphore_mem>>) {add = true}
        %dma_wait3A_66 = arith.constant 0 : i32
        %dma_wait3A_67 = tpu.memref_slice %arg8[%add3A_59, %dma_wait3A_66] : memref<160x128xi32, #tpu.memory_space<vmem>> -> memref<1x128xi32, #tpu.memory_space<vmem>>
        %dma_wait3A_68 = tpu.memref_squeeze %dma_wait3A_67 : memref<1x128xi32, #tpu.memory_space<vmem>> -> memref<128xi32, #tpu.memory_space<vmem>>
        %dma_wait3A_69 = arith.constant 0 : i32
        %dma_wait3A_70 = arith.constant 0 : i32
        %dma_wait3A_71 = tpu.memref_slice %arg11[%dma_wait3A_69, %dma_wait3A_70] : memref<10016x64xf32, #tpu.memory_space<vmem_shared>> -> memref<10016x64xf32, #tpu.memory_space<vmem_shared>>
        tpu.wait_indirect_dma semaphore(%run_scoped3A : memref<!tpu.dma_semaphore, #tpu.memory_space<semaphore_mem>>) src(%arg10 : memref<128x64xf32, #tpu.memory_space<vmem>>) dst(%dma_wait3A_71 : memref<10016x64xf32, #tpu.memory_space<vmem_shared>>)
        tpu.yield
      }) : () -> ()
    }
    %scan3A_18 = arith.constant 80 : i32
    %barrier3A_19 = arith.constant 0 : index
    tpu.barrier barrier_id(%barrier3A_19)
    %scan3A_20 = arith.constant 0 : i32
    %scan3A_21 = arith.constant 0 : i32
    %scan3A_22 = arith.constant 4 : i32
    %scan3A_23 = arith.addi %scan3A_21, %scan3A_22 : i32
    %scan3A_24 = arith.constant 1 : i32
    scf.for %scan3A_30 = %scan3A_21 to %scan3A_23 step %scan3A_24  : i32 {
      %mul3A_31 = arith.constant 626 : i32
      %mul3A_32 = arith.muli %arg1, %mul3A_31 : i32
      %mul3A_33 = arith.constant 128 : i32
      %mul3A_34 = arith.muli %scan3A_30, %mul3A_33 : i32
      %add3A_35 = arith.addi %mul3A_32, %mul3A_34 : i32
      "tpu.region"() ({
        %run_scoped3A = tpu.sem_alloc : memref<!tpu.dma_semaphore, #tpu.memory_space<semaphore_mem>>
        %dma_start3A_38 = arith.constant 0 : i32
        %dma_start3A_39 = tpu.memref_slice %arg11[%add3A_35, %dma_start3A_38] : memref<10016x64xf32, #tpu.memory_space<vmem_shared>> -> memref<128x64xf32, #tpu.memory_space<vmem_shared>>
        %dma_start3A_40 = arith.constant 0 : i32
        %dma_start3A_41 = tpu.memref_slice %arg11[%add3A_35, %dma_start3A_40] : memref<10016x64xf32, #tpu.memory_space<vmem_shared>> -> memref<128x64xf32, #tpu.memory_space<vmem_shared>>
        tpu.enqueue_dma source(%dma_start3A_41 : memref<128x64xf32, #tpu.memory_space<vmem_shared>>) target(%arg9 : memref<128x64xf32, #tpu.memory_space<vmem>>) target_semaphore(%run_scoped3A : memref<!tpu.dma_semaphore, #tpu.memory_space<semaphore_mem>>)
        %dma_wait3A = arith.constant 0 : i32
        %dma_wait3A_42 = tpu.memref_slice %arg11[%add3A_35, %dma_wait3A] : memref<10016x64xf32, #tpu.memory_space<vmem_shared>> -> memref<128x64xf32, #tpu.memory_space<vmem_shared>>
        %dma_wait3A_43 = arith.constant 0 : i32
        %dma_wait3A_44 = tpu.memref_slice %arg11[%add3A_35, %dma_wait3A_43] : memref<10016x64xf32, #tpu.memory_space<vmem_shared>> -> memref<128x64xf32, #tpu.memory_space<vmem_shared>>
        tpu.wait_dma2 semaphore(%run_scoped3A : memref<!tpu.dma_semaphore, #tpu.memory_space<semaphore_mem>>) src(%dma_wait3A_44 : memref<128x64xf32, #tpu.memory_space<vmem_shared>>) dst(%arg9 : memref<128x64xf32, #tpu.memory_space<vmem>>)
        tpu.yield
      }) : () -> ()
      %mul3A_36 = arith.constant 128 : i32
      %mul3A_37 = arith.muli %scan3A_30, %mul3A_36 : i32
      "tpu.region"() ({
        %run_scoped3A = tpu.sem_alloc : memref<!tpu.dma_semaphore, #tpu.memory_space<semaphore_mem>>
        %dma_start3A_38 = arith.constant 0 : i32
        %dma_start3A_39 = tpu.memref_slice %arg6[%arg0, %arg1, %mul3A_37, %dma_start3A_38] : memref<2x16x626x64xf32, #tpu.memory_space<hbm>> -> memref<1x1x128x64xf32, #tpu.memory_space<hbm>>
        %dma_start3A_40 = tpu.memref_squeeze %dma_start3A_39 : memref<1x1x128x64xf32, #tpu.memory_space<hbm>> -> memref<128x64xf32, #tpu.memory_space<hbm>>
        %dma_start3A_41 = arith.constant 0 : i32
        %dma_start3A_42 = tpu.memref_slice %arg6[%arg0, %arg1, %mul3A_37, %dma_start3A_41] : memref<2x16x626x64xf32, #tpu.memory_space<hbm>> -> memref<1x1x128x64xf32, #tpu.memory_space<hbm>>
        %dma_start3A_43 = tpu.memref_squeeze %dma_start3A_42 : memref<1x1x128x64xf32, #tpu.memory_space<hbm>> -> memref<128x64xf32, #tpu.memory_space<hbm>>
        tpu.enqueue_dma source(%arg9 : memref<128x64xf32, #tpu.memory_space<vmem>>) target(%dma_start3A_43 : memref<128x64xf32, #tpu.memory_space<hbm>>) target_semaphore(%run_scoped3A : memref<!tpu.dma_semaphore, #tpu.memory_space<semaphore_mem>>)
        %dma_wait3A = arith.constant 0 : i32
        %dma_wait3A_44 = tpu.memref_slice %arg6[%arg0, %arg1, %mul3A_37, %dma_wait3A] : memref<2x16x626x64xf32, #tpu.memory_space<hbm>> -> memref<1x1x128x64xf32, #tpu.memory_space<hbm>>
        %dma_wait3A_45 = tpu.memref_squeeze %dma_wait3A_44 : memref<1x1x128x64xf32, #tpu.memory_space<hbm>> -> memref<128x64xf32, #tpu.memory_space<hbm>>
        %dma_wait3A_46 = arith.constant 0 : i32
        %dma_wait3A_47 = tpu.memref_slice %arg6[%arg0, %arg1, %mul3A_37, %dma_wait3A_46] : memref<2x16x626x64xf32, #tpu.memory_space<hbm>> -> memref<1x1x128x64xf32, #tpu.memory_space<hbm>>
        %dma_wait3A_48 = tpu.memref_squeeze %dma_wait3A_47 : memref<1x1x128x64xf32, #tpu.memory_space<hbm>> -> memref<128x64xf32, #tpu.memory_space<hbm>>
        tpu.wait_dma2 semaphore(%run_scoped3A : memref<!tpu.dma_semaphore, #tpu.memory_space<semaphore_mem>>) src(%arg9 : memref<128x64xf32, #tpu.memory_space<vmem>>) dst(%dma_wait3A_48 : memref<128x64xf32, #tpu.memory_space<hbm>>)
        tpu.yield
      }) : () -> ()
    }
    %scan3A_25 = arith.constant 4 : i32
    %mul3A_26 = arith.constant 626 : i32
    %mul3A_27 = arith.muli %arg1, %mul3A_26 : i32
    %add3A_28 = arith.constant 512 : i32
    %add3A_29 = arith.addi %mul3A_27, %add3A_28 : i32
    "tpu.region"() ({
      %run_scoped3A = tpu.sem_alloc : memref<!tpu.dma_semaphore, #tpu.memory_space<semaphore_mem>>
      %dma_start3A_30 = arith.constant 0 : i32
      %dma_start3A_31 = arith.constant 0 : i32
      %dma_start3A_32 = tpu.memref_slice %arg9[%dma_start3A_30, %dma_start3A_31] : memref<128x64xf32, #tpu.memory_space<vmem>> -> memref<114x64xf32, #tpu.memory_space<vmem>>
      %dma_start3A_33 = arith.constant 0 : i32
      %dma_start3A_34 = tpu.memref_slice %arg11[%add3A_29, %dma_start3A_33] : memref<10016x64xf32, #tpu.memory_space<vmem_shared>> -> memref<114x64xf32, #tpu.memory_space<vmem_shared>>
      %dma_start3A_35 = arith.constant 0 : i32
      %dma_start3A_36 = arith.constant 0 : i32
      %dma_start3A_37 = tpu.memref_slice %arg9[%dma_start3A_35, %dma_start3A_36] : memref<128x64xf32, #tpu.memory_space<vmem>> -> memref<114x64xf32, #tpu.memory_space<vmem>>
      %dma_start3A_38 = arith.constant 0 : i32
      %dma_start3A_39 = tpu.memref_slice %arg11[%add3A_29, %dma_start3A_38] : memref<10016x64xf32, #tpu.memory_space<vmem_shared>> -> memref<114x64xf32, #tpu.memory_space<vmem_shared>>
      tpu.enqueue_dma source(%dma_start3A_39 : memref<114x64xf32, #tpu.memory_space<vmem_shared>>) target(%dma_start3A_37 : memref<114x64xf32, #tpu.memory_space<vmem>>) target_semaphore(%run_scoped3A : memref<!tpu.dma_semaphore, #tpu.memory_space<semaphore_mem>>)
      %dma_wait3A = arith.constant 0 : i32
      %dma_wait3A_40 = arith.constant 0 : i32
      %dma_wait3A_41 = tpu.memref_slice %arg9[%dma_wait3A, %dma_wait3A_40] : memref<128x64xf32, #tpu.memory_space<vmem>> -> memref<114x64xf32, #tpu.memory_space<vmem>>
      %dma_wait3A_42 = arith.constant 0 : i32
      %dma_wait3A_43 = tpu.memref_slice %arg11[%add3A_29, %dma_wait3A_42] : memref<10016x64xf32, #tpu.memory_space<vmem_shared>> -> memref<114x64xf32, #tpu.memory_space<vmem_shared>>
      %dma_wait3A_44 = arith.constant 0 : i32
      %dma_wait3A_45 = arith.constant 0 : i32
      %dma_wait3A_46 = tpu.memref_slice %arg9[%dma_wait3A_44, %dma_wait3A_45] : memref<128x64xf32, #tpu.memory_space<vmem>> -> memref<114x64xf32, #tpu.memory_space<vmem>>
      %dma_wait3A_47 = arith.constant 0 : i32
      %dma_wait3A_48 = tpu.memref_slice %arg11[%add3A_29, %dma_wait3A_47] : memref<10016x64xf32, #tpu.memory_space<vmem_shared>> -> memref<114x64xf32, #tpu.memory_space<vmem_shared>>
      tpu.wait_dma2 semaphore(%run_scoped3A : memref<!tpu.dma_semaphore, #tpu.memory_space<semaphore_mem>>) src(%dma_wait3A_48 : memref<114x64xf32, #tpu.memory_space<vmem_shared>>) dst(%dma_wait3A_46 : memref<114x64xf32, #tpu.memory_space<vmem>>)
      tpu.yield
    }) : () -> ()
    "tpu.region"() ({
      %run_scoped3A = tpu.sem_alloc : memref<!tpu.dma_semaphore, #tpu.memory_space<semaphore_mem>>
      %dma_start3A_30 = arith.constant 0 : i32
      %dma_start3A_31 = arith.constant 0 : i32
      %dma_start3A_32 = tpu.memref_slice %arg9[%dma_start3A_30, %dma_start3A_31] : memref<128x64xf32, #tpu.memory_space<vmem>> -> memref<114x64xf32, #tpu.memory_space<vmem>>
      %dma_start3A_33 = arith.constant 512 : i32
      %dma_start3A_34 = arith.constant 0 : i32
      %dma_start3A_35 = tpu.memref_slice %arg6[%arg0, %arg1, %dma_start3A_33, %dma_start3A_34] : memref<2x16x626x64xf32, #tpu.memory_space<hbm>> -> memref<1x1x114x64xf32, #tpu.memory_space<hbm>>
      %dma_start3A_36 = tpu.memref_squeeze %dma_start3A_35 : memref<1x1x114x64xf32, #tpu.memory_space<hbm>> -> memref<114x64xf32, #tpu.memory_space<hbm>>
      %dma_start3A_37 = arith.constant 512 : i32
      %dma_start3A_38 = arith.constant 0 : i32
      %dma_start3A_39 = tpu.memref_slice %arg6[%arg0, %arg1, %dma_start3A_37, %dma_start3A_38] : memref<2x16x626x64xf32, #tpu.memory_space<hbm>> -> memref<1x1x114x64xf32, #tpu.memory_space<hbm>>
      %dma_start3A_40 = tpu.memref_squeeze %dma_start3A_39 : memref<1x1x114x64xf32, #tpu.memory_space<hbm>> -> memref<114x64xf32, #tpu.memory_space<hbm>>
      %dma_start3A_41 = arith.constant 0 : i32
      %dma_start3A_42 = arith.constant 0 : i32
      %dma_start3A_43 = tpu.memref_slice %arg9[%dma_start3A_41, %dma_start3A_42] : memref<128x64xf32, #tpu.memory_space<vmem>> -> memref<114x64xf32, #tpu.memory_space<vmem>>
      tpu.enqueue_dma source(%dma_start3A_43 : memref<114x64xf32, #tpu.memory_space<vmem>>) target(%dma_start3A_40 : memref<114x64xf32, #tpu.memory_space<hbm>>) target_semaphore(%run_scoped3A : memref<!tpu.dma_semaphore, #tpu.memory_space<semaphore_mem>>)
      %dma_wait3A = arith.constant 0 : i32
      %dma_wait3A_44 = arith.constant 0 : i32
      %dma_wait3A_45 = tpu.memref_slice %arg9[%dma_wait3A, %dma_wait3A_44] : memref<128x64xf32, #tpu.memory_space<vmem>> -> memref<114x64xf32, #tpu.memory_space<vmem>>
      %dma_wait3A_46 = arith.constant 512 : i32
      %dma_wait3A_47 = arith.constant 0 : i32
      %dma_wait3A_48 = tpu.memref_slice %arg6[%arg0, %arg1, %dma_wait3A_46, %dma_wait3A_47] : memref<2x16x626x64xf32, #tpu.memory_space<hbm>> -> memref<1x1x114x64xf32, #tpu.memory_space<hbm>>
      %dma_wait3A_49 = tpu.memref_squeeze %dma_wait3A_48 : memref<1x1x114x64xf32, #tpu.memory_space<hbm>> -> memref<114x64xf32, #tpu.memory_space<hbm>>
      %dma_wait3A_50 = arith.constant 512 : i32
      %dma_wait3A_51 = arith.constant 0 : i32
      %dma_wait3A_52 = tpu.memref_slice %arg6[%arg0, %arg1, %dma_wait3A_50, %dma_wait3A_51] : memref<2x16x626x64xf32, #tpu.memory_space<hbm>> -> memref<1x1x114x64xf32, #tpu.memory_space<hbm>>
      %dma_wait3A_53 = tpu.memref_squeeze %dma_wait3A_52 : memref<1x1x114x64xf32, #tpu.memory_space<hbm>> -> memref<114x64xf32, #tpu.memory_space<hbm>>
      %dma_wait3A_54 = arith.constant 0 : i32
      %dma_wait3A_55 = arith.constant 0 : i32
      %dma_wait3A_56 = tpu.memref_slice %arg9[%dma_wait3A_54, %dma_wait3A_55] : memref<128x64xf32, #tpu.memory_space<vmem>> -> memref<114x64xf32, #tpu.memory_space<vmem>>
      tpu.wait_dma2 semaphore(%run_scoped3A : memref<!tpu.dma_semaphore, #tpu.memory_space<semaphore_mem>>) src(%dma_wait3A_56 : memref<114x64xf32, #tpu.memory_space<vmem>>) dst(%dma_wait3A_53 : memref<114x64xf32, #tpu.memory_space<hbm>>)
      tpu.yield
    }) : () -> ()
    return
  }
}

module attributes {stable_mosaic.version = 14 : i64} {
  func.func @_pre_body(%arg0: i32, %arg1: memref<1x1xf32, #tpu.memory_space<vmem>>, %arg2: memref<1000x128xf32, #tpu.memory_space<vmem>>, %arg3: memref<1000x128xf32, #tpu.memory_space<vmem>>) attributes {dimension_semantics = [#tpu.dimension_semantics<arbitrary>], iteration_bounds = array<i64: 10>, scalar_prefetch = 0 : i64, scratch_operands = 0 : i64, tpu.core_type = #tpu.core_type<tc>, window_params = [{pipeline_mode = #tpu.pipeline_mode<synchronous>, transform_indices = @transform_0, window_bounds = array<i64: 1, 1>}, {transform_indices = @transform_1, window_bounds = array<i64: 1000, 128>}, {transform_indices = @transform_2, window_bounds = array<i64: 1000, 128>}]} {
    %get3A = arith.constant 0 : index
    %get3A_0 = arith.constant 0 : index
    %get3A_1 = vector.load %arg1[%get3A, %get3A_0] : memref<1x1xf32, #tpu.memory_space<vmem>>, vector<1x1xf32>
    %get3A_2 = vector.extract %get3A_1[0, 0] : f32 from vector<1x1xf32>
    %sqrt3A = math.sqrt %get3A_2 : f32
    %get3A_3 = arith.constant 0 : index
    %get3A_4 = arith.constant 0 : index
    %get3A_5 = vector.load %arg2[%get3A_3, %get3A_4] : memref<1000x128xf32, #tpu.memory_space<vmem>>, vector<1000x128xf32>
    %mul3A = arith.mulf %get3A_5, %get3A_5 : vector<1000x128xf32>
    %reduce_sum3A = arith.constant dense<0.000000e+00> : vector<1000xf32>
    %reduce_sum3A_6 = vector.multi_reduction <add>, %mul3A, %reduce_sum3A [1] : vector<1000x128xf32> to vector<1000xf32>
    %broadcast_in_dim3A = vector.shape_cast %reduce_sum3A_6 : vector<1000xf32> to vector<1000x1xf32>
    %sqrt3A_7 = math.sqrt %broadcast_in_dim3A : vector<1000x1xf32>
    %max3A = arith.constant 1.000000e-15 : f32
    %max3A_8 = vector.broadcast %max3A : f32 to vector<1000x1xf32>
    %max3A_9 = arith.maximumf %sqrt3A_7, %max3A_8 : vector<1000x1xf32>
    %mul3A_10 = vector.broadcast %sqrt3A : f32 to vector<1000x1xf32>
    %mul3A_11 = arith.mulf %mul3A_10, %max3A_9 : vector<1000x1xf32>
    %min3A = arith.constant 0.999989986 : f32
    %min3A_12 = vector.broadcast %min3A : f32 to vector<1000x1xf32>
    %min3A_13 = arith.minimumf %mul3A_11, %min3A_12 : vector<1000x1xf32>
    %add3A = arith.constant 1.000000e+00 : f32
    %add3A_14 = vector.broadcast %add3A : f32 to vector<1000x1xf32>
    %add3A_15 = arith.addf %add3A_14, %min3A_13 : vector<1000x1xf32>
    %sub3A = arith.constant 1.000000e+00 : f32
    %sub3A_16 = vector.broadcast %sub3A : f32 to vector<1000x1xf32>
    %sub3A_17 = arith.subf %sub3A_16, %min3A_13 : vector<1000x1xf32>
    %div3A = arith.divf %add3A_15, %sub3A_17 : vector<1000x1xf32>
    %log3A = math.log %div3A : vector<1000x1xf32>
    %mul3A_18 = arith.constant 5.000000e-01 : f32
    %mul3A_19 = vector.broadcast %mul3A_18 : f32 to vector<1000x1xf32>
    %mul3A_20 = arith.mulf %mul3A_19, %log3A : vector<1000x1xf32>
    %mul3A_21 = vector.broadcast %mul3A_20 : vector<1000x1xf32> to vector<1000x128xf32>
    %mul3A_22 = arith.mulf %mul3A_21, %get3A_5 : vector<1000x128xf32>
    %mul3A_23 = vector.broadcast %sqrt3A : f32 to vector<1000x1xf32>
    %mul3A_24 = arith.mulf %mul3A_23, %max3A_9 : vector<1000x1xf32>
    %div3A_25 = vector.broadcast %mul3A_24 : vector<1000x1xf32> to vector<1000x128xf32>
    %div3A_26 = arith.divf %mul3A_22, %div3A_25 : vector<1000x128xf32>
    %swap3A = arith.constant 0 : index
    %swap3A_27 = arith.constant 0 : index
    %swap3A_28 = vector.load %arg3[%swap3A, %swap3A_27] : memref<1000x128xf32, #tpu.memory_space<vmem>>, vector<1000x128xf32>
    tpu.vector_store %arg3[%swap3A, %swap3A_27], %div3A_26 {strides = array<i32>} : memref<1000x128xf32, #tpu.memory_space<vmem>>, vector<1000x128xf32>,
    return
  }
  func.func @transform_0(%arg0: i32) -> (i32, i32) {
    %c0_i32 = arith.constant 0 : i32
    %c0_i32_0 = arith.constant 0 : i32
    %c0_i32_1 = arith.constant 0 : i32
    return %c0_i32, %c0_i32_0 : i32, i32
  }
  func.func @transform_1(%arg0: i32) -> (i32, i32) {
    %c0_i32 = arith.constant 0 : i32
    %c0_i32_0 = arith.constant 0 : i32
    return %arg0, %c0_i32 : i32, i32
  }
  func.func @transform_2(%arg0: i32) -> (i32, i32) {
    %c0_i32 = arith.constant 0 : i32
    %c0_i32_0 = arith.constant 0 : i32
    return %arg0, %c0_i32 : i32, i32
  }
}

module attributes {stable_mosaic.version = 14 : i64} {
  func.func @_post_body(%arg0: i32, %arg1: memref<1x1xf32, #tpu.memory_space<vmem>>, %arg2: memref<1000x128xf32, #tpu.memory_space<vmem>>, %arg3: memref<1000x64xf32, #tpu.memory_space<vmem>>, %arg4: memref<1000x64xf32, #tpu.memory_space<vmem>>, %arg5: memref<1000x8xf32, #tpu.memory_space<vmem>>, %arg6: memref<1000x8xf32, #tpu.memory_space<vmem>>, %arg7: memref<128x128xf32, #tpu.memory_space<vmem>>, %arg8: memref<1x128xf32, #tpu.memory_space<vmem>>, %arg9: memref<1000x128xf32, #tpu.memory_space<vmem>>) attributes {dimension_semantics = [#tpu.dimension_semantics<arbitrary>], iteration_bounds = array<i64: 10>, scalar_prefetch = 0 : i64, scratch_operands = 0 : i64, tpu.core_type = #tpu.core_type<tc>, window_params = [{pipeline_mode = #tpu.pipeline_mode<synchronous>, transform_indices = @transform_0, window_bounds = array<i64: 1, 1>}, {transform_indices = @transform_1, window_bounds = array<i64: 1000, 128>}, {transform_indices = @transform_2, window_bounds = array<i64: 1000, 64>}, {transform_indices = @transform_3, window_bounds = array<i64: 1000, 64>}, {transform_indices = @transform_4, window_bounds = array<i64: 1000, 8>}, {transform_indices = @transform_5, window_bounds = array<i64: 1000, 8>}, {pipeline_mode = #tpu.pipeline_mode<synchronous>, transform_indices = @transform_6, window_bounds = array<i64: 128, 128>}, {pipeline_mode = #tpu.pipeline_mode<synchronous>, transform_indices = @transform_7, window_bounds = array<i64: 1, 128>}, {transform_indices = @transform_8, window_bounds = array<i64: 1000, 128>}]} {
    %get3A = arith.constant 0 : index
    %get3A_0 = arith.constant 0 : index
    %get3A_1 = vector.load %arg1[%get3A, %get3A_0] : memref<1x1xf32, #tpu.memory_space<vmem>>, vector<1x1xf32>
    %get3A_2 = vector.extract %get3A_1[0, 0] : f32 from vector<1x1xf32>
    %sqrt3A = math.sqrt %get3A_2 : f32
    %get3A_3 = arith.constant 0 : index
    %get3A_4 = arith.constant 0 : index
    %get3A_5 = vector.load %arg2[%get3A_3, %get3A_4] : memref<1000x128xf32, #tpu.memory_space<vmem>>, vector<1000x128xf32>
    %get3A_6 = arith.constant 0 : index
    %get3A_7 = arith.constant 0 : index
    %get3A_8 = vector.load %arg3[%get3A_6, %get3A_7] : memref<1000x64xf32, #tpu.memory_space<vmem>>, vector<1000x64xf32>
    %get3A_9 = arith.constant 0 : index
    %get3A_10 = arith.constant 0 : index
    %get3A_11 = vector.load %arg4[%get3A_9, %get3A_10] : memref<1000x64xf32, #tpu.memory_space<vmem>>, vector<1000x64xf32>
    %concatenate3A = tpu.concatenate %get3A_8, %get3A_11 in 1 : vector<1000x64xf32>, vector<1000x64xf32> -> vector<1000x128xf32>
    %add3A = arith.addf %concatenate3A, %get3A_5 : vector<1000x128xf32>
    %get3A_12 = arith.constant 0 : index
    %get3A_13 = arith.constant 0 : index
    %get3A_14 = vector.load %arg5[%get3A_12, %get3A_13] : memref<1000x8xf32, #tpu.memory_space<vmem>>, vector<1000x1xf32>
    %get3A_15 = arith.constant 0 : index
    %get3A_16 = arith.constant 0 : index
    %get3A_17 = vector.load %arg6[%get3A_15, %get3A_16] : memref<1000x8xf32, #tpu.memory_space<vmem>>, vector<1000x1xf32>
    %add3A_18 = arith.addf %get3A_14, %get3A_17 : vector<1000x1xf32>
    %add3A_19 = arith.constant 1.000000e+00 : f32
    %add3A_20 = vector.broadcast %add3A_19 : f32 to vector<1000x1xf32>
    %add3A_21 = arith.addf %add3A_18, %add3A_20 : vector<1000x1xf32>
    %max3A = arith.constant 1.000000e+00 : f32
    %max3A_22 = vector.broadcast %max3A : f32 to vector<1000x1xf32>
    %max3A_23 = arith.maximumf %add3A_21, %max3A_22 : vector<1000x1xf32>
    %div3A = vector.broadcast %max3A_23 : vector<1000x1xf32> to vector<1000x128xf32>
    %div3A_24 = arith.divf %add3A, %div3A : vector<1000x128xf32>
    %mul3A = arith.mulf %div3A_24, %div3A_24 : vector<1000x128xf32>
    %reduce_sum3A = arith.constant dense<0.000000e+00> : vector<1000xf32>
    %reduce_sum3A_25 = vector.multi_reduction <add>, %mul3A, %reduce_sum3A [1] : vector<1000x128xf32> to vector<1000xf32>
    %broadcast_in_dim3A = vector.shape_cast %reduce_sum3A_25 : vector<1000xf32> to vector<1000x1xf32>
    %sqrt3A_26 = math.sqrt %broadcast_in_dim3A : vector<1000x1xf32>
    %max3A_27 = arith.constant 1.000000e-15 : f32
    %max3A_28 = vector.broadcast %max3A_27 : f32 to vector<1000x1xf32>
    %max3A_29 = arith.maximumf %sqrt3A_26, %max3A_28 : vector<1000x1xf32>
    %mul3A_30 = vector.broadcast %sqrt3A : f32 to vector<1000x1xf32>
    %mul3A_31 = arith.mulf %mul3A_30, %max3A_29 : vector<1000x1xf32>
    %tanh3A = math.tanh %mul3A_31 : vector<1000x1xf32>
    %mul3A_32 = vector.broadcast %tanh3A : vector<1000x1xf32> to vector<1000x128xf32>
    %mul3A_33 = arith.mulf %mul3A_32, %div3A_24 : vector<1000x128xf32>
    %mul3A_34 = vector.broadcast %sqrt3A : f32 to vector<1000x1xf32>
    %mul3A_35 = arith.mulf %mul3A_34, %max3A_29 : vector<1000x1xf32>
    %div3A_36 = vector.broadcast %mul3A_35 : vector<1000x1xf32> to vector<1000x128xf32>
    %div3A_37 = arith.divf %mul3A_33, %div3A_36 : vector<1000x128xf32>
    %mul3A_38 = arith.mulf %div3A_37, %div3A_37 : vector<1000x128xf32>
    %reduce_sum3A_39 = arith.constant dense<0.000000e+00> : vector<1000xf32>
    %reduce_sum3A_40 = vector.multi_reduction <add>, %mul3A_38, %reduce_sum3A_39 [1] : vector<1000x128xf32> to vector<1000xf32>
    %broadcast_in_dim3A_41 = vector.shape_cast %reduce_sum3A_40 : vector<1000xf32> to vector<1000x1xf32>
    %sqrt3A_42 = math.sqrt %broadcast_in_dim3A_41 : vector<1000x1xf32>
    %max3A_43 = arith.constant 1.000000e-15 : f32
    %max3A_44 = vector.broadcast %max3A_43 : f32 to vector<1000x1xf32>
    %max3A_45 = arith.maximumf %sqrt3A_42, %max3A_44 : vector<1000x1xf32>
    %mul3A_46 = vector.broadcast %sqrt3A : f32 to vector<1000x1xf32>
    %mul3A_47 = arith.mulf %mul3A_46, %max3A_45 : vector<1000x1xf32>
    %min3A = arith.constant 0.999989986 : f32
    %min3A_48 = vector.broadcast %min3A : f32 to vector<1000x1xf32>
    %min3A_49 = arith.minimumf %mul3A_47, %min3A_48 : vector<1000x1xf32>
    %add3A_50 = arith.constant 1.000000e+00 : f32
    %add3A_51 = vector.broadcast %add3A_50 : f32 to vector<1000x1xf32>
    %add3A_52 = arith.addf %add3A_51, %min3A_49 : vector<1000x1xf32>
    %sub3A = arith.constant 1.000000e+00 : f32
    %sub3A_53 = vector.broadcast %sub3A : f32 to vector<1000x1xf32>
    %sub3A_54 = arith.subf %sub3A_53, %min3A_49 : vector<1000x1xf32>
    %div3A_55 = arith.divf %add3A_52, %sub3A_54 : vector<1000x1xf32>
    %log3A = math.log %div3A_55 : vector<1000x1xf32>
    %mul3A_56 = arith.constant 5.000000e-01 : f32
    %mul3A_57 = vector.broadcast %mul3A_56 : f32 to vector<1000x1xf32>
    %mul3A_58 = arith.mulf %mul3A_57, %log3A : vector<1000x1xf32>
    %mul3A_59 = vector.broadcast %mul3A_58 : vector<1000x1xf32> to vector<1000x128xf32>
    %mul3A_60 = arith.mulf %mul3A_59, %div3A_37 : vector<1000x128xf32>
    %mul3A_61 = vector.broadcast %sqrt3A : f32 to vector<1000x1xf32>
    %mul3A_62 = arith.mulf %mul3A_61, %max3A_45 : vector<1000x1xf32>
    %div3A_63 = vector.broadcast %mul3A_62 : vector<1000x1xf32> to vector<1000x128xf32>
    %div3A_64 = arith.divf %mul3A_60, %div3A_63 : vector<1000x128xf32>
    %get3A_65 = arith.constant 0 : index
    %get3A_66 = arith.constant 0 : index
    %get3A_67 = vector.load %arg7[%get3A_65, %get3A_66] : memref<128x128xf32, #tpu.memory_space<vmem>>, vector<128x128xf32>
    %dot_general3A = arith.constant dense<0.000000e+00> : vector<1000x128xf32>
    %dot_general3A_68 = tpu.matmul %div3A_64, %get3A_67, %dot_general3A {dimension_numbers = #tpu.dot_dimension_numbers<[1], [0], [0], [1], [0, 0, 1, 1], [], []>, transpose_lhs_hint = false} : vector<1000x128xf32>, vector<128x128xf32>, vector<1000x128xf32> -> vector<1000x128xf32>
    %get3A_69 = arith.constant 0 : index
    %get3A_70 = arith.constant 0 : index
    %get3A_71 = vector.load %arg8[%get3A_69, %get3A_70] : memref<1x128xf32, #tpu.memory_space<vmem>>, vector<1x128xf32>
    %add3A_72 = vector.broadcast %get3A_71 : vector<1x128xf32> to vector<1000x128xf32>
    %add3A_73 = arith.addf %dot_general3A_68, %add3A_72 : vector<1000x128xf32>
    %mul3A_74 = arith.mulf %add3A_73, %add3A_73 : vector<1000x128xf32>
    %reduce_sum3A_75 = arith.constant dense<0.000000e+00> : vector<1000xf32>
    %reduce_sum3A_76 = vector.multi_reduction <add>, %mul3A_74, %reduce_sum3A_75 [1] : vector<1000x128xf32> to vector<1000xf32>
    %broadcast_in_dim3A_77 = vector.shape_cast %reduce_sum3A_76 : vector<1000xf32> to vector<1000x1xf32>
    %sqrt3A_78 = math.sqrt %broadcast_in_dim3A_77 : vector<1000x1xf32>
    %max3A_79 = arith.constant 1.000000e-15 : f32
    %max3A_80 = vector.broadcast %max3A_79 : f32 to vector<1000x1xf32>
    %max3A_81 = arith.maximumf %sqrt3A_78, %max3A_80 : vector<1000x1xf32>
    %mul3A_82 = vector.broadcast %sqrt3A : f32 to vector<1000x1xf32>
    %mul3A_83 = arith.mulf %mul3A_82, %max3A_81 : vector<1000x1xf32>
    %tanh3A_84 = math.tanh %mul3A_83 : vector<1000x1xf32>
    %mul3A_85 = vector.broadcast %tanh3A_84 : vector<1000x1xf32> to vector<1000x128xf32>
    %mul3A_86 = arith.mulf %mul3A_85, %add3A_73 : vector<1000x128xf32>
    %mul3A_87 = vector.broadcast %sqrt3A : f32 to vector<1000x1xf32>
    %mul3A_88 = arith.mulf %mul3A_87, %max3A_81 : vector<1000x1xf32>
    %div3A_89 = vector.broadcast %mul3A_88 : vector<1000x1xf32> to vector<1000x128xf32>
    %div3A_90 = arith.divf %mul3A_86, %div3A_89 : vector<1000x128xf32>
    %swap3A = arith.constant 0 : index
    %swap3A_91 = arith.constant 0 : index
    %swap3A_92 = vector.load %arg9[%swap3A, %swap3A_91] : memref<1000x128xf32, #tpu.memory_space<vmem>>, vector<1000x128xf32>
    tpu.vector_store %arg9[%swap3A, %swap3A_91], %div3A_90 {strides = array<i32>} : memref<1000x128xf32, #tpu.memory_space<vmem>>, vector<1000x128xf32>,
    return
  }
  func.func @transform_0(%arg0: i32) -> (i32, i32) {
    %c0_i32 = arith.constant 0 : i32
    %c0_i32_0 = arith.constant 0 : i32
    %c0_i32_1 = arith.constant 0 : i32
    return %c0_i32, %c0_i32_0 : i32, i32
  }
  func.func @transform_1(%arg0: i32) -> (i32, i32) {
    %c0_i32 = arith.constant 0 : i32
    %c0_i32_0 = arith.constant 0 : i32
    return %arg0, %c0_i32 : i32, i32
  }
  func.func @transform_2(%arg0: i32) -> (i32, i32) {
    %c0_i32 = arith.constant 0 : i32
    %c0_i32_0 = arith.constant 0 : i32
    return %arg0, %c0_i32 : i32, i32
  }
  func.func @transform_3(%arg0: i32) -> (i32, i32) {
    %c0_i32 = arith.constant 0 : i32
    %c0_i32_0 = arith.constant 0 : i32
    return %arg0, %c0_i32 : i32, i32
  }
  func.func @transform_4(%arg0: i32) -> (i32, i32) {
    %c0_i32 = arith.constant 0 : i32
    %c0_i32_0 = arith.constant 0 : i32
    return %arg0, %c0_i32 : i32, i32
  }
  func.func @transform_5(%arg0: i32) -> (i32, i32) {
    %c0_i32 = arith.constant 0 : i32
    %c0_i32_0 = arith.constant 0 : i32
    return %arg0, %c0_i32 : i32, i32
  }
  func.func @transform_6(%arg0: i32) -> (i32, i32) {
    %c0_i32 = arith.constant 0 : i32
    %c0_i32_0 = arith.constant 0 : i32
    %c0_i32_1 = arith.constant 0 : i32
    return %c0_i32, %c0_i32_0 : i32, i32
  }
  func.func @transform_7(%arg0: i32) -> (i32, i32) {
    %c0_i32 = arith.constant 0 : i32
    %c0_i32_0 = arith.constant 0 : i32
    %c0_i32_1 = arith.constant 0 : i32
    return %c0_i32, %c0_i32_0 : i32, i32
  }
  func.func @transform_8(%arg0: i32) -> (i32, i32) {
    %c0_i32 = arith.constant 0 : i32
    %c0_i32_0 = arith.constant 0 : i32
    return %arg0, %c0_i32 : i32, i32
  }
}

</mosaic_0001>

<sc_bundles>
// kernel: kernel.6.cloned.1.call-start
scs
__scs_entry_jumppad:
0x0: {  	(pc) =	sbr.rel $0x88, $3  }
0x1: {  	(tag) =	ssettag $0x0;
	lr =	simm.s32 $0x1  }
0x2: {  	[smem:$0x3F9C] =	sst lr;
	_ =	strace $0xD0000000  }
0x3: {  	_ = 	snop  }
0x4: {  	_ = 	snop  }
0x5: {  	_ = 	snop  }
0x6: {  	_ = 	snop  }
0x7: {  	_ = 	snop  }
__scs_overlays_trampoline_lowered:
0x8: {  	[smem:$0x3FAB] =	sst s0  }
0x9: {  	[smem:$0x3FAC] =	sst s1  }
0xa: {  	[smem:$0x3FAD] =	sst s2  }
0xb: {  	[smem:$0x3FAE] =	sst s3  }
0xc: {  	[smem:$0x3FAF] =	sst s4  }
0xd: {  	[smem:$0x3FB0] =	sst s5  }
0xe: {  	[smem:$0x3FB1] =	sst s6  }
0xf: {  	[smem:$0x3FB2] =	sst s7  }
0x10: {  	[smem:$0x3FB3] =	sst s8  }
0x11: {  	[smem:$0x3FB4] =	sst s9;
	s0 =	simm.s32 @!p0 $0x0  }
0x12: {  	s1 =	sld [smem:$0x3F9A];
	s0 =	simm.s32 @p0 $0x1  }
0x13: {  	[smem:$0x3FB5] =	sst s0;
	s0 =	simm.s32 @!p1 $0x0  }
0x14: {  	s2 =	sld [smem:$0x3F99];
	s0 =	simm.s32 @p1 $0x1  }
0x15: {  	[smem:$0x3FB6] =	sst s0;
	s0 =	simm.s32 @!p2 $0x0  }
0x16: {  	s3 =	sld [smem:$0x3FDB];
	s0 =	simm.s32 @p2 $0x1  }
0x17: {  	s4 =	simm.s32 $0x1BF5;
	[smem:$0x3FB8] =	sst s0  }
0x18: {  	s0 =	sld [smem:$0x3F9B];
	_ =	swait.ge [sflag:s4], $0x0  }
0x19: {  	s7 =	sld [smem:$0x3F9C]  }
0x1a: {  	s8 =	sadd.s32 $0xFFFFE003, lr  }
0x1b: {  	s9 =	sadd.s32 $0xFFFFFEF7, lr;
	s5 =	simm.s32 $0xFFFFFFFF;
	p2 =	slt.u32 s8, $0xFFFFF086  }
0x1c: {  	p1 =	slt.u32 s9, $0xF7A;
	s5 =	simm.s32 @!p2 $0x0  }
0x1d: {  	s5 =	simm.s32 @p1 $0x1;
	p0 =	seq.s32 s7, s2  }
0x1e: {  	s7 =	smul.u32 @!p0 $0xF7A, s2;
	p2 =	seq.s32 @!p0 s5, $0x0  }
0x1f: {  	s9 =	smul.u32 $0xF7A, s1;
	s8 =	simm.s32 @!p0 $0x1BF5;
	p2 =	por !p2, p0  }
0x20: {  	[sflag:s8] =	ssyncset.s32 @!p0 $0xFFFFF086;
	s6 =	sadd.s32 @!p0 s3, s7;
	s7 =	simm.s32 @!p0 $0x108  }
0x21: {  	s3 =	sadd.s32 s3, s9;
	s6 =	sadd.s32 @!p0 $0x88, s6;
	s7 =	simm.s32 @p2 $0x1082  }
0x22: {  	[simem:s7], [sflag:s8] =	dma.local @!p0 [hbm:s6], $0xF7A  }
0x23: {  	s9 =	sor.u32 $0xD0000000, s2;
	s6 =	simm.s32 $0x108;
	_ =	swait.ge @!p0 [sflag:s8], $0x0  }
0x24: {  	s3 =	sadd.s32 $0x88, s3;
	s6 =	simm.s32 @!p1 $0x1082;
	[sflag:s4] =	ssyncset.s32 $0xFFFFF086  }
0x25: {  	[simem:s6], [sflag:s4] =	dma.local [hbm:s3], $0xF7A  }
0x26: {  	[smem:$0x3F9C] =	sst s1;
	(tag) =	ssettag s2;
	_ =	strace s9  }
0x27: {  	s1 =	sld [smem:$0x3FAC]  }
0x28: {  	s2 =	sld [smem:$0x3FAD]  }
0x29: {  	s4 =	sld [smem:$0x3FAF]  }
0x2a: {  	p0 =	seq.s32 s5, $0x0;
	s5 =	sld [smem:$0x3FB0]  }
0x2b: {  	s6 =	sld [smem:$0x3FB1]  }
0x2c: {  	s7 =	sld [smem:$0x3FB2]  }
0x2d: {  	s3 =	simm.s32 $0x108;
	s8 =	sld [smem:$0x3FB3]  }
0x2e: {  	s3 =	simm.s32 @!p0 $0x1082;
	s9 =	sld [smem:$0x3FB4]  }
0x2f: {  	lr =	sadd.s32 s0, s3;
	s0 =	sld [smem:$0x3FAB]  }
0x30: {  	s3 =	sld [smem:$0x3FAE]  }
0x31: {  	[smem:$0x3FB7] =	sst s10  }
0x32: {  	s10 =	sld [smem:$0x3FB5];
	_ =	sdelay $0x3  }
0x33: {  	p0 =	seq.s32 s10, $0x1;
	s10 =	sld [smem:$0x3FB7];
	_ =	sdelay $0x3  }
0x34: {  	[smem:$0x3FB7] =	sst s10  }
0x35: {  	s10 =	sld [smem:$0x3FB6];
	_ =	sdelay $0x3  }
0x36: {  	p1 =	seq.s32 s10, $0x1;
	s10 =	sld [smem:$0x3FB7];
	_ =	sdelay $0x3  }
0x37: {  	[smem:$0x3FB7] =	sst s10  }
0x38: {  	s10 =	sld [smem:$0x3FB8]  }
0x39: {  	_ = 	snop;
	(pc) =	sbr.ind lr, $3  }
0x3a: {  	_ = 	snop  }
0x3b: {  	_ = 	snop  }
0x3c: {  	p2 =	seq.s32 s10, $0x1;
	s10 =	sld [smem:$0x3FB7]  }
0x3d: {  	_ =	shalt  }
0x3e: {  	_ =	shalt  }
0x3f: {  	_ =	shalt  }
0x40: {  	_ =	shalt  }
0x41: {  	_ =	shalt  }
0x42: {  	_ =	shalt  }
0x43: {  	_ =	shalt  }
0x44: {  	_ =	shalt  }
0x45: {  	_ =	shalt  }
0x46: {  	_ =	shalt  }
0x47: {  	_ =	shalt  }
0x48: {  	_ =	shalt  }
0x49: {  	_ =	shalt  }
0x4a: {  	_ =	shalt  }
0x4b: {  	_ =	shalt  }
0x4c: {  	_ =	shalt  }
0x4d: {  	_ =	shalt  }
0x4e: {  	_ =	shalt  }
0x4f: {  	_ =	shalt  }
0x50: {  	_ =	shalt  }
0x51: {  	_ =	shalt  }
0x52: {  	_ =	shalt  }
0x53: {  	_ =	shalt  }
0x54: {  	_ =	shalt  }
0x55: {  	_ =	shalt  }
0x56: {  	_ =	shalt  }
0x57: {  	_ =	shalt  }
0x58: {  	_ =	shalt  }
0x59: {  	_ =	shalt  }
0x5a: {  	_ =	shalt  }
0x5b: {  	_ =	shalt  }
0x5c: {  	_ =	shalt  }
0x5d: {  	_ =	shalt  }
0x5e: {  	_ =	shalt  }
0x5f: {  	_ =	shalt  }
0x60: {  	_ =	shalt  }
0x61: {  	_ =	shalt  }
0x62: {  	_ =	shalt  }
0x63: {  	_ =	shalt  }
0x64: {  	_ =	shalt  }
0x65: {  	_ =	shalt  }
0x66: {  	_ =	shalt  }
0x67: {  	_ =	shalt  }
0x68: {  	_ =	shalt  }
0x69: {  	_ =	shalt  }
0x6a: {  	_ =	shalt  }
0x6b: {  	_ =	shalt  }
0x6c: {  	_ =	shalt  }
0x6d: {  	_ =	shalt  }
0x6e: {  	_ =	shalt  }
0x6f: {  	_ =	shalt  }
0x70: {  	_ =	shalt  }
0x71: {  	_ =	shalt  }
0x72: {  	_ =	shalt  }
0x73: {  	_ =	shalt  }
0x74: {  	_ =	shalt  }
0x75: {  	_ =	shalt  }
0x76: {  	_ =	shalt  }
0x77: {  	_ =	shalt  }
0x78: {  	_ =	shalt  }
0x79: {  	_ =	shalt  }
0x7a: {  	_ =	shalt  }
0x7b: {  	_ =	shalt  }
0x7c: {  	_ =	shalt  }
0x7d: {  	_ =	shalt  }
0x7e: {  	_ =	shalt  }
0x7f: {  	_ =	shalt  }
0x80: {  	_ =	shalt  }
0x81: {  	_ =	shalt  }
0x82: {  	_ =	shalt  }
0x83: {  	_ =	shalt  }
0x84: {  	_ =	shalt  }
0x85: {  	_ =	shalt  }
0x86: {  	_ =	shalt  }
0x87: {  	_ =	shalt  }
.Lfunc_end0:
.L_simem_size_0:
called_computation_lowered:
.L_overlay_start_0:
0x88: {  	s2 =	sld [smem:$0x3FD9]  }
0x89: {  	s3 =	sld [smem:$0x3FFE];
	_ =	sdelay $0x1  }
0x8a: {  	s1 =	srdreg.scid  }
0x8b: {  	s0 =	sand.u32 $0x1, s1  }
0x8c: {  	s17 =	sshll.u32 s0, $0xA;
	s2 =	sadd.s32 s3, s2  }
0x8d: {  	s2 =	sadd.s32 s2, s17  }
0x8e: {  	[smem:$0x3FC3] =	sst s2  }
0x8f: {  	_ = 	snop  }
0x90: {  	s2 =	sld [smem:$0x3FD0];
	(tm) =	ssettm $0x1  }
0x91: {  	s18 =	sld [smem:$0x3FFB];
	_ =	sdelay $0x3  }
0x92: {  	_ =	strace s18  }
0x93: {  	s3 =	sld [smem:$0x3FFC];
	_ =	sdelay $0x3  }
0x94: {  	_ =	strace s3  }
0x95: {  	s3 =	sld [smem:$0x3FFD];
	_ =	sdelay $0x3  }
0x96: {  	_ =	strace s3  }
0x97: {  	_ =	strace $0x8FFFFFFF  }
0x98: {  	s19 =	sld [smem:$0x3FDB];
	_ =	sdelay $0x1  }
0x99: {  	s4 =	simm.s32 $_scs_section_size  }
0x9a: {  	s5 =	simm.s32 $_size__tile_overlayer_lowered;
	s6 =	simm.s32 $_tile_overlayer_lowered  }
0x9b: {  	s22 =	simm.s32 $0x1BFF;
	s21 =	sshll.u32 s6, $0x1;
	s3 =	sadd.s32 s4, s19  }
0x9c: {  	s7 =	simm.s32 $0x0;
	s20 =	sshll.u32 s5, $0x1;
	s5 =	sadd.s32 s21, s3  }
0x9d: {  	[timem:s7], [sflag:s22] =	dma.local [hbm:s5], s20  }
0x9e: {  	_ =	swait.ge [sflag:s22], s20  }
0x9f: {  	s4 =	ssub.s32 $0x0, s20;
	[sflag:s22] =	ssyncset.done $0x0  }
0xa0: {  	[sflag:s22] =	ssyncadd.s32 s4;
	_ =	sdelay $0x1  }
0xa1: {  	s23 =	simm.s32 $0x1B8B  }
0xa2: {  	_ =	swait.ge [sflag:s23], $0x1  }
0xa3: {  	[sflag:s23] =	ssyncset.done $0x0  }
0xa4: {  	s25 =	simm.s32 $0x1B8E;
	s24 =	sld [smem:$0x3FFE];
	[sflag:s23] =	ssyncadd.s32 $0xFFFFFFFF  }
0xa5: {  	s26 =	simm.s32 $execute0_lowered;
	[smem:$0x3FD2] =	sst s25  }
0xa6: {  	s5 =	sshll.u32 s26, $0x1;
	_ =	strace $0x80000046;
	[dreg:$0x1] =	wrdreg $0xFFFFFFFF  }
0xa7: {  	s28 =	simm.s32 $_size_execute0_lowered;
	s3 =	sadd.s32 s3, s5;
	[dreg:$0x0] =	wrdreg $0x0  }
0xa8: {  	s5 =	sshll.u32 s28, $0x1;
	[dreg:$0x2] =	wrdreg s3  }
0xa9: {  	[dreg:$0x3] =	wrdreg s5  }
0xaa: {  	[dreg:$0x4] =	wrdreg $0xC0  }
0xab: {  	_ =	task [dreg:s7], $0x5FFFF  }
0xac: {  	[dreg:$0x1] =	wrdreg $0xFFFFFFFF  }
0xad: {  	[dreg:$0x0] =	wrdreg $0x60  }
0xae: {  	[dreg:$0x2] =	wrdreg s2  }
0xaf: {  	[dreg:$0x3] =	wrdreg s24  }
0xb0: {  	[dreg:$0x4] =	wrdreg $0xE0000  }
0xb1: {  	[dreg:$0x5] =	wrdreg $0x9  }
0xb2: {  	_ =	task.clear_ibuf [dreg:s7], $0x6FFFF;
	_ =	strace $0x90000046  }
0xb3: {  	s29 =	simm.s32 $0x9;
	_ =	strace $0x80000048  }
0xb4: {  	_ =	swait.ge [sflag:s29], $0x1  }
0xb5: {  	[sflag:s29] =	ssyncadd.s32 $0xFFFFFFFF  }
0xb6: {  	_ =	strace $0x90000048  }
0xb7: {  	_ =	sfence  }
0xb8: {  	s30 =	sld [smem:$0x0];
	_ =	sdelay $0x2  }
0xb9: {  	s31 =	sshll.u32 s1, $0xD;
	s1 =	sshrl.u32 s1, $0x2  }
0xba: {  	s3 =	sand.u32 $0x4000, s31;
	s1 =	sadd.s32 s1, s30  }
0xbb: {  	s0 =	sor.u32 s3, s0;
	s1 =	sshll.u32 s1, $0x11  }
0xbc: {  	s0 =	sor.u32 s1, s0  }
0xbd: {  	s0 =	sadd.s32 $0x8F2B, s0  }
0xbe: {  	[sflag:s0] =	ssyncadd.remote.s32 $0x1  }
0xbf: {  	_ =	sfence.sel $0xFFFF  }
0xc0: {  	[dreg:$0x0] =	wrdreg $0xFFFFFFFF;
	(pc) =	sbr.abs _section_cstart, $3  }
0xc1: {  	[dreg:$0x1] =	wrdreg $0xFFFFFFFF  }
0xc2: {  	_ =	task.clear_ibuf [dreg:s7], $0x2FFFF;
	_ =	strace $0x9FFFFFFF  }
0xc3: {  	(tm) =	ssettm $0x7FFFFFFF  }
tec
execute0_lowered:
.L_overlay_start_1:
0x0: {  	(tag) =	ssettag $0x1  }
0x1: {  	s1 =	rddreg [dreg:$0x0];
	s2 =	srdreg.scid  }
0x2: {  	s0 =	stileid.u32;
	s6 =	rddreg [dreg:$0x1]  }
0x3: {  	s3 =	rddreg [dreg:$0x2];
	s4 =	simm.s32 $0x0;
	s19 =	simm.s32 $0x3  }
0x4: {  	s21 =	simm.s32 $0xA000;
	s22 =	simm.s32 $0x80;
	s23 =	simm.s32 $0xC000  }
0x5: {  	s24 =	simm.s32 $0x1;
	s25 =	simm.s32 $0x2;
	s5 =	smul.u32 $0x5000, s0  }
0x6: {  	s28 =	simm.s32 $0x9F00;
	s2 =	sand.u32 $0x1, s2;
	s26 =	smul.u32 $0x27200, s0  }
0x7: {  	s29 =	simm.s32 $0x9F80;
	s30 =	simm.s32 $0x0;
	s7 =	smul.u32 $0x50000, s2  }
0x8: {  	[smem:$0x7FF] =	sst s4;
	s8 =	smul.u32 $0x9C800, s2;
	s2 =	ssub.s32 $0x2, s2  }
0x9: {  	s9 =	smul.u32 $0x9C80, s0;
	_ =	strace $0x80000047;
	s11 =	sshrl.u32 s2, $0x1  }
0xa: {  	s31 =	sshrl.u32 s26, $0x2;
	s7 =	sadd.s32 s5, s7;
	s5 =	sshrl.u32 s5, $0x3  }
0xb: {  	s8 =	sadd.s32 s9, s8;
	s2 =	ssub.s32 s2, s11;
	s7 =	sshrl.u32 s7, $0x3  }
0xc: {  	s10 =	sadd.s32 s5, s6;
	s5 =	sadd.s32 $0x20A00, s6;
	s8 =	sshrl.u32 s8, $0x3  }
0xd: {  	s11 =	smax.u32 s2, $0x1;
	s7 =	sadd.s32 s7, s6;
	s18 =	sadd.s32 s8, s6  }
0xe: {  	s8 =	sadd.s32 s31, s3;
	s6 =	sadd.s32 $0x2A00, s7;
	s7 =	sadd.s32 $0x16A00, s10  }
0xf: {  	s9 =	sadd.s32 $0x8000, s8;
	s10 =	sadd.s32 $0x21E00, s18;
	s12 =	sadd.s32 $0x2000, s8  }
0x10: {  	s13 =	sadd.s32 $0x4000, s8;
	s14 =	sadd.s32 $0x6000, s8;
	s15 =	sadd.s32 $0x20E00, s18  }
0x11: {  	s16 =	sadd.s32 $0x21200, s18;
	s17 =	sadd.s32 $0x21600, s18;
	s18 =	sadd.s32 $0x21A00, s18  }
.LBB2_1:
0x12: {  	[tilespmem:s4], [sflag:$0x3] =	stream.linear.gather [hbm4b:s6+s4], $0x5000, $0x38;
	[tilespmem:$0x17C80] =	vst v63  }
0x13: {  	_ =	swait.ge [sflag:s19], $0x5000  }
0x14: {  	[sflag:s19] =	ssyncset.done $0x0  }
0x15: {  	s0 =	simm.s32 $0x5000;
	[sflag:s19] =	ssyncadd.s32 $0xFFFFB000  }
0x16: {  	[tilespmem:s0], [sflag:$0x3] =	stream.linear.gather [hbm4b:s7+s4], $0x5000, $0x38;
	[tilespmem:$0x17C80] =	vst v63  }
0x17: {  	_ =	swait.ge [sflag:s19], $0x5000  }
0x18: {  	[sflag:s19] =	ssyncset.done $0x0  }
0x19: {  	[sflag:s19] =	ssyncadd.s32 $0xFFFFB000  }
0x1a: {  	[tilespmem:s21], [sflag:$0x3] =	stream.linear.gather [hbm4b:s5+s4], $0x2000, $0x38;
	[tilespmem:$0x17C80] =	vst v63  }
0x1b: {  	_ =	swait.ge [sflag:s19], $0x2000  }
0x1c: {  	[sflag:s19] =	ssyncset.done $0x0  }
0x1d: {  	[sflag:s19] =	ssyncadd.s32 $0xFFFFE000  }
0x1e: {  	[spmem:s8] =	stream.linear.scatter [tilespmem:s21], [sflag:$0x3], $0x2000, $0x38;
	[tilespmem:$0x17C80] =	vst v63  }
0x1f: {  	_ =	swait.ge [sflag:s19], $0x2000  }
0x20: {  	[sflag:s19] =	ssyncset.done $0x0  }
0x21: {  	[sflag:s19] =	ssyncadd.s32 $0xFFFFE000  }
0x22: {  	[spmem:s12] =	stream.linear.scatter [tilespmem:s21], [sflag:$0x3], $0x2000, $0x38;
	[tilespmem:$0x17C80] =	vst v63  }
0x23: {  	_ =	swait.ge [sflag:s19], $0x2000  }
0x24: {  	[sflag:s19] =	ssyncset.done $0x0  }
0x25: {  	[sflag:s19] =	ssyncadd.s32 $0xFFFFE000  }
0x26: {  	[spmem:s13] =	stream.linear.scatter [tilespmem:s21], [sflag:$0x3], $0x2000, $0x38;
	[tilespmem:$0x17C80] =	vst v63  }
0x27: {  	_ =	swait.ge [sflag:s19], $0x2000  }
0x28: {  	[sflag:s19] =	ssyncset.done $0x0  }
0x29: {  	[sflag:s19] =	ssyncadd.s32 $0xFFFFE000  }
0x2a: {  	[spmem:s14] =	stream.linear.scatter [tilespmem:s21], [sflag:$0x3], $0x2000, $0x38;
	[tilespmem:$0x17C80] =	vst v63  }
0x2b: {  	_ =	swait.ge [sflag:s19], $0x2000  }
0x2c: {  	[sflag:s19] =	ssyncset.done $0x0  }
0x2d: {  	[sflag:s19] =	ssyncadd.s32 $0xFFFFE000  }
0x2e: {  	[spmem:s9] =	stream.linear.scatter [tilespmem:s21], [sflag:$0x3], $0x1C80, $0x38;
	[tilespmem:$0x17C80] =	vst v63  }
0x2f: {  	_ =	swait.ge [sflag:s19], $0x1C80  }
0x30: {  	[sflag:s19] =	ssyncset.done $0x0  }
0x31: {  	[sflag:s19] =	ssyncadd.s32 $0xFFFFE380  }
0x32: {  	[bflag:$0x0] =	sbarrier.arrive $0xFFFF  }
0x33: {  	[tilespmem:s21], [sflag:$0x1] =	stream.indirect.gather [hbm4b:s1+s22], $0x40, s4, s22, $0xb8;
	[tilespmem:$0x17C80] =	vst v63  }
0x34: {  	s2 =	simm.s32 $0x80  }
0x35: {  	[tilespmem:s23], [sflag:$0x2] =	stream.indirect.gather [hbm4b:s1+s22], $0x40, s2, s22, $0xb8;
	[tilespmem:$0x17C80] =	vst v63  }
0x36: {  	_ =	swait.ge [sflag:s24], $0x2000  }
0x37: {  	[sflag:s24] =	ssyncset.done $0x0  }
0x38: {  	s0 =	simm.s32 $0x5000;
	[sflag:s24] =	ssyncadd.s32 $0xFFFFE000  }
0x39: {  	[spmem:s3] =	stream.indirect.scatter.add.f32 [tilespmem:s21], [sflag:$0x3], $0x40, s0, s22, $0xb8;
	[tilespmem:$0x17C80] =	vst v63  }
0x3a: {  	_ =	swait.ge [sflag:s19], $0x2000  }
0x3b: {  	[sflag:s19] =	ssyncset.done $0x0  }
0x3c: {  	s20 =	simm.s32 $0x100;
	[sflag:s19] =	ssyncadd.s32 $0xFFFFE000  }
0x3d: {  	[tilespmem:s21], [sflag:$0x1] =	stream.indirect.gather [hbm4b:s1+s22], $0x40, s20, s22, $0xb8;
	[tilespmem:$0x17C80] =	vst v63  }
0x3e: {  	_ =	swait.ge [sflag:s25], $0x2000  }
0x3f: {  	[sflag:s25] =	ssyncset.done $0x0  }
0x40: {  	s26 =	simm.s32 $0x5080;
	[sflag:s25] =	ssyncadd.s32 $0xFFFFE000  }
0x41: {  	[spmem:s3] =	stream.indirect.scatter.add.f32 [tilespmem:s23], [sflag:$0x3], $0x40, s26, s22, $0xb8;
	[tilespmem:$0x17C80] =	vst v63  }
0x42: {  	_ =	swait.ge [sflag:s19], $0x2000  }
0x43: {  	s31 =	simm.s32 $0x100;
	s2 =	simm.s32 $0x800;
	[sflag:s19] =	ssyncset.done $0x0  }
.LBB2_2:
0x44: {  	s0 =	sadd.s32 $0x80, s31  }
0x45: {  	[sflag:s19] =	ssyncadd.s32 $0xFFFFE000;
	s20 =	smov.u32 s2;
	s26 =	sadd.s32 $0x400, s2  }
0x46: {  	[tilespmem:s23], [sflag:$0x2] =	stream.indirect.gather [hbm4b:s1+s22], $0x40, s0, s22, $0xb8;
	[tilespmem:$0x17C80] =	vst v63  }
0x47: {  	p0 =	sne.s32 s2, $0x13800;
	_ =	swait.ge [sflag:s24], $0x2000  }
0x48: {  	[sflag:s24] =	ssyncset.done $0x0  }
0x49: {  	s0 =	sadd.s32 $0x5000, s31;
	[sflag:s24] =	ssyncadd.s32 $0xFFFFE000  }
0x4a: {  	[spmem:s3] =	stream.indirect.scatter.add.f32 [tilespmem:s21], [sflag:$0x3], $0x40, s0, s22, $0xb8;
	[tilespmem:$0x17C80] =	vst v63  }
0x4b: {  	_ =	swait.ge [sflag:s19], $0x2000  }
0x4c: {  	[sflag:s19] =	ssyncset.done $0x0  }
0x4d: {  	s0 =	sadd.s32 $0x100, s31;
	[sflag:s19] =	ssyncadd.s32 $0xFFFFE000  }
0x4e: {  	[tilespmem:s21], [sflag:$0x1] =	stream.indirect.gather [hbm4b:s1+s22], $0x40, s0, s22, $0xb8;
	[tilespmem:$0x17C80] =	vst v63  }
0x4f: {  	_ =	swait.ge [sflag:s25], $0x2000  }
.Ltmp0:
0x50: {  	[sflag:s25] =	ssyncset.done $0x0;
	(pc) =	sbr.rel @p0 .LBB2_2-.Ltmp0, $4  }
0x51: {  	s0 =	sadd.s32 $0x5080, s31;
	[sflag:s25] =	ssyncadd.s32 $0xFFFFE000  }
0x52: {  	[spmem:s3] =	stream.indirect.scatter.add.f32 [tilespmem:s23], [sflag:$0x3], $0x40, s0, s22, $0xb8;
	[tilespmem:$0x17C80] =	vst v63  }
0x53: {  	_ =	swait.ge [sflag:s19], $0x2000  }
0x54: {  	s2 =	smov.u32 s26;
	s31 =	sshra.s32 s20, $0x2;
	[sflag:s19] =	ssyncset.done $0x0  }
0x55: {  	s0 =	sadd.s32 $0x80, s31;
	[sflag:s19] =	ssyncadd.s32 $0xFFFFE000  }
0x56: {  	[tilespmem:s23], [sflag:$0x2] =	stream.indirect.gather [hbm4b:s1+s22], $0x40, s0, s22, $0xb8;
	[tilespmem:$0x17C80] =	vst v63  }
0x57: {  	_ =	swait.ge [sflag:s24], $0x2000  }
0x58: {  	[sflag:s24] =	ssyncset.done $0x0  }
0x59: {  	s2 =	sadd.s32 $0x5000, s31;
	[sflag:s24] =	ssyncadd.s32 $0xFFFFE000  }
0x5a: {  	[spmem:s3] =	stream.indirect.scatter.add.f32 [tilespmem:s21], [sflag:$0x3], $0x40, s2, s22, $0xb8;
	[tilespmem:$0x17C80] =	vst v63  }
0x5b: {  	_ =	swait.ge [sflag:s19], $0x2000  }
0x5c: {  	[sflag:s19] =	ssyncset.done $0x0  }
0x5d: {  	s20 =	sadd.s32 $0x100, s31;
	[sflag:s19] =	ssyncadd.s32 $0xFFFFE000  }
0x5e: {  	[tilespmem:s21], [sflag:$0x1] =	stream.indirect.gather [hbm4b:s1+s22], $0x40, s20, s22, $0xb8;
	[tilespmem:$0x17C80] =	vst v63  }
0x5f: {  	_ =	swait.ge [sflag:s25], $0x2000  }
0x60: {  	[sflag:s25] =	ssyncset.done $0x0  }
0x61: {  	s26 =	sadd.s32 $0x5080, s31;
	[sflag:s25] =	ssyncadd.s32 $0xFFFFE000  }
0x62: {  	[spmem:s3] =	stream.indirect.scatter.add.f32 [tilespmem:s23], [sflag:$0x3], $0x40, s26, s22, $0xb8;
	[tilespmem:$0x17C80] =	vst v63  }
0x63: {  	_ =	swait.ge [sflag:s19], $0x2000  }
0x64: {  	[sflag:s19] =	ssyncset.done $0x0  }
0x65: {  	s31 =	simm.s32 $0x4F80;
	[sflag:s19] =	ssyncadd.s32 $0xFFFFE000  }
0x66: {  	[tilespmem:s23], [sflag:$0x2] =	stream.indirect.gather [hbm4b:s1+s22], $0x40, s31, s22, $0xb8;
	[tilespmem:$0x17C80] =	vst v63  }
0x67: {  	_ =	swait.ge [sflag:s24], $0x2000  }
0x68: {  	[sflag:s24] =	ssyncset.done $0x0  }
0x69: {  	[sflag:s24] =	ssyncadd.s32 $0xFFFFE000  }
0x6a: {  	[spmem:s3] =	stream.indirect.scatter.add.f32 [tilespmem:s21], [sflag:$0x3], $0x40, s28, s22, $0xb8;
	[tilespmem:$0x17C80] =	vst v63  }
0x6b: {  	_ =	swait.ge [sflag:s19], $0x2000  }
0x6c: {  	[sflag:s19] =	ssyncset.done $0x0  }
0x6d: {  	[sflag:s19] =	ssyncadd.s32 $0xFFFFE000  }
0x6e: {  	_ =	swait.ge [sflag:s25], $0x2000  }
0x6f: {  	[sflag:s25] =	ssyncset.done $0x0  }
0x70: {  	[sflag:s25] =	ssyncadd.s32 $0xFFFFE000  }
0x71: {  	[spmem:s3] =	stream.indirect.scatter.add.f32 [tilespmem:s23], [sflag:$0x3], $0x40, s29, s22, $0xb8;
	[tilespmem:$0x17C80] =	vst v63  }
0x72: {  	_ =	swait.ge [sflag:s19], $0x2000  }
0x73: {  	[sflag:s19] =	ssyncset.done $0x0  }
0x74: {  	[sflag:s19] =	ssyncadd.s32 $0xFFFFE000  }
0x75: {  	[bflag:$0x0] =	sbarrier.arrive $0xFFFF  }
0x76: {  	[tilespmem:s21], [sflag:$0x3] =	stream.linear.gather [spmem:s8], $0x2000, $0x38;
	[tilespmem:$0x17C80] =	vst v63  }
0x77: {  	_ =	swait.ge [sflag:s19], $0x2000  }
0x78: {  	[sflag:s19] =	ssyncset.done $0x0  }
0x79: {  	[sflag:s19] =	ssyncadd.s32 $0xFFFFE000  }
0x7a: {  	[hbm4b:s15+s4] =	stream.linear.scatter [tilespmem:s21], [sflag:$0x3], $0x2000, $0x38;
	[tilespmem:$0x17C80] =	vst v63  }
0x7b: {  	_ =	swait.ge [sflag:s19], $0x2000  }
0x7c: {  	[sflag:s19] =	ssyncset.done $0x0  }
0x7d: {  	[sflag:s19] =	ssyncadd.s32 $0xFFFFE000  }
0x7e: {  	[tilespmem:s21], [sflag:$0x3] =	stream.linear.gather [spmem:s12], $0x2000, $0x38;
	[tilespmem:$0x17C80] =	vst v63  }
0x7f: {  	_ =	swait.ge [sflag:s19], $0x2000  }
0x80: {  	[sflag:s19] =	ssyncset.done $0x0  }
0x81: {  	[sflag:s19] =	ssyncadd.s32 $0xFFFFE000  }
0x82: {  	[hbm4b:s16+s4] =	stream.linear.scatter [tilespmem:s21], [sflag:$0x3], $0x2000, $0x38;
	[tilespmem:$0x17C80] =	vst v63  }
0x83: {  	_ =	swait.ge [sflag:s19], $0x2000  }
0x84: {  	[sflag:s19] =	ssyncset.done $0x0  }
0x85: {  	[sflag:s19] =	ssyncadd.s32 $0xFFFFE000  }
0x86: {  	[tilespmem:s21], [sflag:$0x3] =	stream.linear.gather [spmem:s13], $0x2000, $0x38;
	[tilespmem:$0x17C80] =	vst v63  }
0x87: {  	_ =	swait.ge [sflag:s19], $0x2000  }
0x88: {  	[sflag:s19] =	ssyncset.done $0x0  }
0x89: {  	[sflag:s19] =	ssyncadd.s32 $0xFFFFE000  }
0x8a: {  	[hbm4b:s17+s4] =	stream.linear.scatter [tilespmem:s21], [sflag:$0x3], $0x2000, $0x38;
	[tilespmem:$0x17C80] =	vst v63  }
0x8b: {  	_ =	swait.ge [sflag:s19], $0x2000  }
0x8c: {  	[sflag:s19] =	ssyncset.done $0x0  }
0x8d: {  	[sflag:s19] =	ssyncadd.s32 $0xFFFFE000  }
0x8e: {  	[tilespmem:s21], [sflag:$0x3] =	stream.linear.gather [spmem:s14], $0x2000, $0x38;
	[tilespmem:$0x17C80] =	vst v63  }
0x8f: {  	_ =	swait.ge [sflag:s19], $0x2000  }
0x90: {  	[sflag:s19] =	ssyncset.done $0x0  }
0x91: {  	[sflag:s19] =	ssyncadd.s32 $0xFFFFE000  }
0x92: {  	[hbm4b:s18+s4] =	stream.linear.scatter [tilespmem:s21], [sflag:$0x3], $0x2000, $0x38;
	[tilespmem:$0x17C80] =	vst v63  }
0x93: {  	_ =	swait.ge [sflag:s19], $0x2000  }
0x94: {  	[sflag:s19] =	ssyncset.done $0x0  }
0x95: {  	[sflag:s19] =	ssyncadd.s32 $0xFFFFE000  }
0x96: {  	[tilespmem:s21], [sflag:$0x3] =	stream.linear.gather [spmem:s9], $0x1C80, $0x38;
	[tilespmem:$0x17C80] =	vst v63  }
0x97: {  	s30 =	sadd.s32 $0x1, s30;
	_ =	swait.ge [sflag:s19], $0x1C80  }
0x98: {  	p0 =	sne.s32 s30, s11;
	[sflag:s19] =	ssyncset.done $0x0  }
.Ltmp1:
0x99: {  	[sflag:s19] =	ssyncadd.s32 $0xFFFFE380;
	(pc) =	sbr.rel @p0 .LBB2_1-.Ltmp1, $4  }
0x9a: {  	[hbm4b:s10+s4] =	stream.linear.scatter [tilespmem:s21], [sflag:$0x3], $0x1C80, $0x38;
	[tilespmem:$0x17C80] =	vst v63  }
0x9b: {  	_ =	swait.ge [sflag:s19], $0x1C80  }
0x9c: {  	[sflag:s19] =	ssyncset.done $0x0  }
0x9d: {  	[sflag:s19] =	ssyncadd.s32 $0xFFFFE380  }
0x9e: {  	_ =	sfence.sel $0x180000  }
0x9f: {  	[bflag:$0x0] =	sbarrier.arrive $0xFFFF  }
0xa0: {  	_ =	strace $0x90000047  }
0xa1: {  	s0 =	stileid.u32;
	[bflag:$0x2] =	sbarrier.arrive $0xFFFF  }
0xa2: {  	p0 =	sne.s32 s0, $0x0;
	s0 =	rddreg [dreg:$0x3]  }
0xa3: {  	s0 =	sadd.s32 @!p0 $0x100000, s0  }
0xa4: {  	[sflag:s0] =	ssyncadd.tile.s32 @!p0 $0x1;
	_ =	shalt  }
.Lfunc_end2:
_tile_overlayer_lowered:
.L_overlay_start_2:
0xa5: {  	(tag) =	ssettag $0x2  }
0xa6: {  	s0 =	rddreg [dreg:$0x0];
	s2 =	stileid.u32  }
0xa7: {  	s1 =	rddreg [dreg:$0x1];
	p0 =	sne.s32 s2, $0x0  }
0xa8: {  	s3 =	rddreg [dreg:$0x2];
	[bflag:$0x3] =	sbarrier.arrive $0xFFFF;
	s2 =	simm.s32 @!p0 $0x1C03  }
0xa9: {  	[timem:s3], [sflag:s2] =	dma.local @!p0 [hbm:s0], s1  }
0xaa: {  	s0 =	simm.s32 @!p0 $0x3  }
0xab: {  	_ =	swait.ge @!p0 [sflag:s0], s1  }
0xac: {  	s1 =	ssub.s32 @!p0 $0x0, s1;
	[sflag:s0] =	ssyncset.done @!p0 $0x0  }
0xad: {  	[sflag:s0] =	ssyncadd.s32 @!p0 s1  }
0xae: {  	[bflag:$0x3] =	sbarrier.arrive $0xFFFF  }
0xaf: {  	_ =	shalt  }

// kernel: kernel.9.cloned.1.call-start
scs
__scs_entry_jumppad:
0x0: {  	(pc) =	sbr.rel $0x88, $3  }
0x1: {  	(tag) =	ssettag $0x0;
	lr =	simm.s32 $0x1  }
0x2: {  	[smem:$0x3F9C] =	sst lr;
	_ =	strace $0xD0000000  }
0x3: {  	_ = 	snop  }
0x4: {  	_ = 	snop  }
0x5: {  	_ = 	snop  }
0x6: {  	_ = 	snop  }
0x7: {  	_ = 	snop  }
__scs_overlays_trampoline_lowered:
0x8: {  	[smem:$0x3FAB] =	sst s0  }
0x9: {  	[smem:$0x3FAC] =	sst s1  }
0xa: {  	[smem:$0x3FAD] =	sst s2  }
0xb: {  	[smem:$0x3FAE] =	sst s3  }
0xc: {  	[smem:$0x3FAF] =	sst s4  }
0xd: {  	[smem:$0x3FB0] =	sst s5  }
0xe: {  	[smem:$0x3FB1] =	sst s6  }
0xf: {  	[smem:$0x3FB2] =	sst s7  }
0x10: {  	[smem:$0x3FB3] =	sst s8  }
0x11: {  	[smem:$0x3FB4] =	sst s9;
	s0 =	simm.s32 @!p0 $0x0  }
0x12: {  	s1 =	sld [smem:$0x3F9A];
	s0 =	simm.s32 @p0 $0x1  }
0x13: {  	[smem:$0x3FB5] =	sst s0;
	s0 =	simm.s32 @!p1 $0x0  }
0x14: {  	s2 =	sld [smem:$0x3F99];
	s0 =	simm.s32 @p1 $0x1  }
0x15: {  	[smem:$0x3FB6] =	sst s0;
	s0 =	simm.s32 @!p2 $0x0  }
0x16: {  	s3 =	sld [smem:$0x3FDB];
	s0 =	simm.s32 @p2 $0x1  }
0x17: {  	s4 =	simm.s32 $0x1BF5;
	[smem:$0x3FB8] =	sst s0  }
0x18: {  	s0 =	sld [smem:$0x3F9B];
	_ =	swait.ge [sflag:s4], $0x0  }
0x19: {  	s7 =	sld [smem:$0x3F9C]  }
0x1a: {  	s8 =	sadd.s32 $0xFFFFE003, lr  }
0x1b: {  	s9 =	sadd.s32 $0xFFFFFEF7, lr;
	s5 =	simm.s32 $0xFFFFFFFF;
	p2 =	slt.u32 s8, $0xFFFFF086  }
0x1c: {  	p1 =	slt.u32 s9, $0xF7A;
	s5 =	simm.s32 @!p2 $0x0  }
0x1d: {  	s5 =	simm.s32 @p1 $0x1;
	p0 =	seq.s32 s7, s2  }
0x1e: {  	s7 =	smul.u32 @!p0 $0xF7A, s2;
	p2 =	seq.s32 @!p0 s5, $0x0  }
0x1f: {  	s9 =	smul.u32 $0xF7A, s1;
	s8 =	simm.s32 @!p0 $0x1BF5;
	p2 =	por !p2, p0  }
0x20: {  	[sflag:s8] =	ssyncset.s32 @!p0 $0xFFFFF086;
	s6 =	sadd.s32 @!p0 s3, s7;
	s7 =	simm.s32 @!p0 $0x108  }
0x21: {  	s3 =	sadd.s32 s3, s9;
	s6 =	sadd.s32 @!p0 $0x88, s6;
	s7 =	simm.s32 @p2 $0x1082  }
0x22: {  	[simem:s7], [sflag:s8] =	dma.local @!p0 [hbm:s6], $0xF7A  }
0x23: {  	s9 =	sor.u32 $0xD0000000, s2;
	s6 =	simm.s32 $0x108;
	_ =	swait.ge @!p0 [sflag:s8], $0x0  }
0x24: {  	s3 =	sadd.s32 $0x88, s3;
	s6 =	simm.s32 @!p1 $0x1082;
	[sflag:s4] =	ssyncset.s32 $0xFFFFF086  }
0x25: {  	[simem:s6], [sflag:s4] =	dma.local [hbm:s3], $0xF7A  }
0x26: {  	[smem:$0x3F9C] =	sst s1;
	(tag) =	ssettag s2;
	_ =	strace s9  }
0x27: {  	s1 =	sld [smem:$0x3FAC]  }
0x28: {  	s2 =	sld [smem:$0x3FAD]  }
0x29: {  	s4 =	sld [smem:$0x3FAF]  }
0x2a: {  	p0 =	seq.s32 s5, $0x0;
	s5 =	sld [smem:$0x3FB0]  }
0x2b: {  	s6 =	sld [smem:$0x3FB1]  }
0x2c: {  	s7 =	sld [smem:$0x3FB2]  }
0x2d: {  	s3 =	simm.s32 $0x108;
	s8 =	sld [smem:$0x3FB3]  }
0x2e: {  	s3 =	simm.s32 @!p0 $0x1082;
	s9 =	sld [smem:$0x3FB4]  }
0x2f: {  	lr =	sadd.s32 s0, s3;
	s0 =	sld [smem:$0x3FAB]  }
0x30: {  	s3 =	sld [smem:$0x3FAE]  }
0x31: {  	[smem:$0x3FB7] =	sst s10  }
0x32: {  	s10 =	sld [smem:$0x3FB5];
	_ =	sdelay $0x3  }
0x33: {  	p0 =	seq.s32 s10, $0x1;
	s10 =	sld [smem:$0x3FB7];
	_ =	sdelay $0x3  }
0x34: {  	[smem:$0x3FB7] =	sst s10  }
0x35: {  	s10 =	sld [smem:$0x3FB6];
	_ =	sdelay $0x3  }
0x36: {  	p1 =	seq.s32 s10, $0x1;
	s10 =	sld [smem:$0x3FB7];
	_ =	sdelay $0x3  }
0x37: {  	[smem:$0x3FB7] =	sst s10  }
0x38: {  	s10 =	sld [smem:$0x3FB8]  }
0x39: {  	_ = 	snop;
	(pc) =	sbr.ind lr, $3  }
0x3a: {  	_ = 	snop  }
0x3b: {  	_ = 	snop  }
0x3c: {  	p2 =	seq.s32 s10, $0x1;
	s10 =	sld [smem:$0x3FB7]  }
0x3d: {  	_ =	shalt  }
0x3e: {  	_ =	shalt  }
0x3f: {  	_ =	shalt  }
0x40: {  	_ =	shalt  }
0x41: {  	_ =	shalt  }
0x42: {  	_ =	shalt  }
0x43: {  	_ =	shalt  }
0x44: {  	_ =	shalt  }
0x45: {  	_ =	shalt  }
0x46: {  	_ =	shalt  }
0x47: {  	_ =	shalt  }
0x48: {  	_ =	shalt  }
0x49: {  	_ =	shalt  }
0x4a: {  	_ =	shalt  }
0x4b: {  	_ =	shalt  }
0x4c: {  	_ =	shalt  }
0x4d: {  	_ =	shalt  }
0x4e: {  	_ =	shalt  }
0x4f: {  	_ =	shalt  }
0x50: {  	_ =	shalt  }
0x51: {  	_ =	shalt  }
0x52: {  	_ =	shalt  }
0x53: {  	_ =	shalt  }
0x54: {  	_ =	shalt  }
0x55: {  	_ =	shalt  }
0x56: {  	_ =	shalt  }
0x57: {  	_ =	shalt  }
0x58: {  	_ =	shalt  }
0x59: {  	_ =	shalt  }
0x5a: {  	_ =	shalt  }
0x5b: {  	_ =	shalt  }
0x5c: {  	_ =	shalt  }
0x5d: {  	_ =	shalt  }
0x5e: {  	_ =	shalt  }
0x5f: {  	_ =	shalt  }
0x60: {  	_ =	shalt  }
0x61: {  	_ =	shalt  }
0x62: {  	_ =	shalt  }
0x63: {  	_ =	shalt  }
0x64: {  	_ =	shalt  }
0x65: {  	_ =	shalt  }
0x66: {  	_ =	shalt  }
0x67: {  	_ =	shalt  }
0x68: {  	_ =	shalt  }
0x69: {  	_ =	shalt  }
0x6a: {  	_ =	shalt  }
0x6b: {  	_ =	shalt  }
0x6c: {  	_ =	shalt  }
0x6d: {  	_ =	shalt  }
0x6e: {  	_ =	shalt  }
0x6f: {  	_ =	shalt  }
0x70: {  	_ =	shalt  }
0x71: {  	_ =	shalt  }
0x72: {  	_ =	shalt  }
0x73: {  	_ =	shalt  }
0x74: {  	_ =	shalt  }
0x75: {  	_ =	shalt  }
0x76: {  	_ =	shalt  }
0x77: {  	_ =	shalt  }
0x78: {  	_ =	shalt  }
0x79: {  	_ =	shalt  }
0x7a: {  	_ =	shalt  }
0x7b: {  	_ =	shalt  }
0x7c: {  	_ =	shalt  }
0x7d: {  	_ =	shalt  }
0x7e: {  	_ =	shalt  }
0x7f: {  	_ =	shalt  }
0x80: {  	_ =	shalt  }
0x81: {  	_ =	shalt  }
0x82: {  	_ =	shalt  }
0x83: {  	_ =	shalt  }
0x84: {  	_ =	shalt  }
0x85: {  	_ =	shalt  }
0x86: {  	_ =	shalt  }
0x87: {  	_ =	shalt  }
.Lfunc_end0:
.L_simem_size_0:
called_computation.1_lowered:
.L_overlay_start_0:
0x88: {  	s2 =	sld [smem:$0x3FD9]  }
0x89: {  	s3 =	sld [smem:$0x3FFE];
	_ =	sdelay $0x1  }
0x8a: {  	s1 =	srdreg.scid  }
0x8b: {  	s0 =	sand.u32 $0x1, s1  }
0x8c: {  	s17 =	sshll.u32 s0, $0xA;
	s2 =	sadd.s32 s3, s2  }
0x8d: {  	s2 =	sadd.s32 s2, s17  }
0x8e: {  	[smem:$0x3FC3] =	sst s2  }
0x8f: {  	_ = 	snop  }
0x90: {  	(tm) =	ssettm $0x1  }
0x91: {  	s18 =	sld [smem:$0x3FFB];
	_ =	sdelay $0x3  }
0x92: {  	_ =	strace s18  }
0x93: {  	s2 =	sld [smem:$0x3FFC];
	_ =	sdelay $0x3  }
0x94: {  	_ =	strace s2  }
0x95: {  	s2 =	sld [smem:$0x3FFD];
	_ =	sdelay $0x3  }
0x96: {  	_ =	strace s2  }
0x97: {  	_ =	strace $0x8FFFFFFF  }
0x98: {  	s19 =	sld [smem:$0x3FDB];
	_ =	sdelay $0x1  }
0x99: {  	s20 =	simm.s32 $_scs_section_size  }
0x9a: {  	s4 =	simm.s32 $_size__tile_overlayer_lowered;
	s5 =	simm.s32 $_tile_overlayer_lowered  }
0x9b: {  	s6 =	simm.s32 $0x1BFF;
	s21 =	sshll.u32 s5, $0x1;
	s3 =	sadd.s32 s20, s19  }
0x9c: {  	s22 =	simm.s32 $0x0;
	s4 =	sshll.u32 s4, $0x1;
	s5 =	sadd.s32 s21, s3  }
0x9d: {  	[timem:s22], [sflag:s6] =	dma.local [hbm:s5], s4  }
0x9e: {  	_ =	swait.ge [sflag:s6], s4  }
0x9f: {  	s4 =	ssub.s32 $0x0, s4;
	[sflag:s6] =	ssyncset.done $0x0  }
0xa0: {  	[sflag:s6] =	ssyncadd.s32 s4;
	_ =	sdelay $0x1  }
0xa1: {  	s23 =	simm.s32 $0x1B8B  }
0xa2: {  	_ =	swait.ge [sflag:s23], $0x1  }
0xa3: {  	[sflag:s23] =	ssyncset.done $0x0  }
0xa4: {  	[sflag:s23] =	ssyncadd.s32 $0xFFFFFFFF  }
0xa5: {  	s4 =	sld [smem:$0x0]  }
0xa6: {  	s5 =	sand.u32 $0xFFFFFFFE, s1  }
0xa7: {  	p0 =	sne.s32 s1, s5  }
0xa8: {  	s5 =	sshll.u32 @p0 s5, $0xE  }
0xa9: {  	s5 =	sadd.s32 @p0 $0x11B8D, s5;
	s6 =	sshll.u32 @p0 s4, $0x11  }
0xaa: {  	s5 =	sor.u32 @p0 s6, s5  }
0xab: {  	[sflag:s5] =	ssyncadd.remote.s32 @p0 $0x1;
	_ =	sdelay $0x1  }
0xac: {  	s5 =	simm.s32 @p0 $0x1B8D  }
0xad: {  	_ =	swait.eq @p0 [sflag:s5], $0x1  }
0xae: {  	[sflag:s5] =	ssyncadd.s32 @p0 $0xFFFFFFFF  }
0xaf: {  	s6 =	sshll.u32 @!p0 s1, $0xE  }
0xb0: {  	s6 =	sor.u32 @!p0 $0x4000, s6;
	s5 =	simm.s32 @!p0 $0x1B8D  }
0xb1: {  	s4 =	sshll.u32 @!p0 s4, $0x11;
	s6 =	sadd.s32 @!p0 $0x11B8D, s6;
	_ =	swait.eq @!p0 [sflag:s5], $0x1  }
0xb2: {  	s4 =	sor.u32 @!p0 s4, s6;
	[sflag:s5] =	ssyncadd.s32 @!p0 $0xFFFFFFFF  }
0xb3: {  	s25 =	simm.s32 $0x1B8E;
	s24 =	sld [smem:$0x3FFE];
	[sflag:s4] =	ssyncadd.remote.s32 @!p0 $0x1  }
0xb4: {  	s26 =	simm.s32 $execute0_lowered;
	[smem:$0x3FD2] =	sst s25  }
0xb5: {  	s5 =	sshll.u32 s26, $0x1;
	_ =	strace $0x80000049;
	[dreg:$0x1] =	wrdreg $0xFFFFFFFF  }
0xb6: {  	s28 =	simm.s32 $_size_execute0_lowered;
	s3 =	sadd.s32 s3, s5;
	[dreg:$0x0] =	wrdreg $0x0  }
0xb7: {  	s5 =	sshll.u32 s28, $0x1;
	[dreg:$0x2] =	wrdreg s3  }
0xb8: {  	[dreg:$0x3] =	wrdreg s5  }
0xb9: {  	[dreg:$0x4] =	wrdreg $0xC0  }
0xba: {  	_ =	task [dreg:s22], $0x5FFFF  }
0xbb: {  	[dreg:$0x1] =	wrdreg $0xFFFFFFFF  }
0xbc: {  	[dreg:$0x0] =	wrdreg $0x60  }
0xbd: {  	[dreg:$0x2] =	wrdreg s24  }
0xbe: {  	[dreg:$0x3] =	wrdreg $0x30000  }
0xbf: {  	[dreg:$0x4] =	wrdreg $0xA  }
0xc0: {  	_ =	task.clear_ibuf [dreg:s22], $0x5FFFF;
	_ =	strace $0x90000049  }
0xc1: {  	s29 =	simm.s32 $0xA;
	_ =	strace $0x8000004B  }
0xc2: {  	_ =	swait.ge [sflag:s29], $0x1  }
0xc3: {  	[sflag:s29] =	ssyncadd.s32 $0xFFFFFFFF  }
0xc4: {  	_ =	strace $0x9000004B  }
0xc5: {  	_ =	sfence  }
0xc6: {  	s30 =	sld [smem:$0x0];
	_ =	sdelay $0x2  }
0xc7: {  	s31 =	sshll.u32 s1, $0xD;
	s1 =	sshrl.u32 s1, $0x2  }
0xc8: {  	s4 =	sand.u32 $0x4000, s31;
	s1 =	sadd.s32 s1, s30  }
0xc9: {  	s0 =	sor.u32 s4, s0;
	s1 =	sshll.u32 s1, $0x11  }
0xca: {  	s0 =	sor.u32 s1, s0  }
0xcb: {  	s0 =	sadd.s32 $0x8F2B, s0  }
0xcc: {  	[sflag:s0] =	ssyncadd.remote.s32 $0x1  }
0xcd: {  	_ =	sfence.sel $0xFFFF  }
0xce: {  	[dreg:$0x0] =	wrdreg $0xFFFFFFFF;
	(pc) =	sbr.abs _section_cstart, $3  }
0xcf: {  	[dreg:$0x1] =	wrdreg $0xFFFFFFFF  }
0xd0: {  	_ =	task.clear_ibuf [dreg:s22], $0x2FFFF;
	_ =	strace $0x9FFFFFFF  }
0xd1: {  	(tm) =	ssettm $0x7FFFFFFF  }
tec
execute0_lowered:
.L_overlay_start_1:
0x0: {  	(tag) =	ssettag $0x1  }
0x1: {  	s6 =	rddreg [dreg:$0x0]  }
0x2: {  	s0 =	srdreg.scid;
	s2 =	rddreg [dreg:$0x1]  }
0x3: {  	s1 =	rddreg [dreg:$0x2];
	s7 =	sand.u32 $0x1, s0  }
0x4: {  	s0 =	stileid.u32;
	s4 =	smul.u32 $0x28000, s7  }
0x5: {  	s3 =	simm.s32 $0x0;
	s18 =	simm.s32 $0x1;
	s5 =	smul.u32 $0x2800, s0  }
0x6: {  	s19 =	simm.s32 $0x2800;
	s20 =	simm.s32 $0x2C00;
	s28 =	smul.u32 $0x13900, s7  }
0x7: {  	s21 =	simm.s32 $0x80;
	s22 =	simm.s32 $0x0;
	s8 =	smul.u32 $0x1390, s0  }
0x8: {  	[smem:$0x7FF] =	sst s3;
	s10 =	smul.u32 $0x4E40, s0;
	s7 =	ssub.s32 $0x2, s7  }
0x9: {  	_ =	strace $0x8000004A;
	s29 =	sshrl.u32 s7, $0x1;
	s4 =	sadd.s32 s5, s4  }
0xa: {  	s8 =	sadd.s32 s8, s28;
	s5 =	sadd.s32 $0x48000, s6;
	s30 =	sshrl.u32 s10, $0x2  }
0xb: {  	s31 =	ssub.s32 s7, s29;
	s4 =	sshrl.u32 s4, $0x3;
	s8 =	sshrl.u32 s8, $0x3  }
0xc: {  	s7 =	sadd.s32 s30, s2;
	s10 =	smax.u32 s31, $0x1;
	s9 =	sadd.s32 s4, s6  }
0xd: {  	s4 =	sadd.s32 $0x48200, s6;
	s17 =	sadd.s32 s8, s6;
	s8 =	sadd.s32 $0x1000, s7  }
0xe: {  	s11 =	sadd.s32 $0x400, s7;
	s12 =	sadd.s32 $0x800, s7;
	s13 =	sadd.s32 $0xC00, s7  }
0xf: {  	s6 =	sadd.s32 $0x16A00, s9;
	s9 =	sadd.s32 $0x48600, s17;
	s14 =	sadd.s32 $0x48400, s17  }
0x10: {  	s15 =	sadd.s32 $0x48480, s17;
	s16 =	sadd.s32 $0x48500, s17;
	s17 =	sadd.s32 $0x48580, s17  }
.LBB2_1:
0x11: {  	[tilespmem:s3], [sflag:$0x1] =	stream.linear.gather [hbm4b:s6+s3], $0x2800, $0x38;
	[tilespmem:$0x4390] =	vst v63  }
0x12: {  	_ =	swait.ge [sflag:s18], $0x2800  }
0x13: {  	[sflag:s18] =	ssyncset.done $0x0  }
0x14: {  	[sflag:s18] =	ssyncadd.s32 $0xFFFFD800  }
0x15: {  	[tilespmem:s19], [sflag:$0x1] =	stream.linear.gather [hbm4b:s4+s3], $0x400, $0x38;
	[tilespmem:$0x4390] =	vst v63  }
0x16: {  	_ =	swait.ge [sflag:s18], $0x400  }
0x17: {  	[sflag:s18] =	ssyncset.done $0x0  }
0x18: {  	[sflag:s18] =	ssyncadd.s32 $0xFFFFFC00  }
0x19: {  	[tilespmem:s20], [sflag:$0x1] =	stream.linear.gather [hbm4b:s5+s3], $0x400, $0x38;
	[tilespmem:$0x4390] =	vst v63  }
0x1a: {  	_ =	swait.ge [sflag:s18], $0x400  }
0x1b: {  	[sflag:s18] =	ssyncset.done $0x0  }
0x1c: {  	[sflag:s18] =	ssyncadd.s32 $0xFFFFFC00  }
0x1d: {  	[spmem:s7] =	stream.linear.scatter [tilespmem:s19], [sflag:$0x1], $0x400, $0x38;
	[tilespmem:$0x4390] =	vst v63  }
0x1e: {  	_ =	swait.ge [sflag:s18], $0x400  }
0x1f: {  	[sflag:s18] =	ssyncset.done $0x0  }
0x20: {  	[sflag:s18] =	ssyncadd.s32 $0xFFFFFC00  }
0x21: {  	[spmem:s11] =	stream.linear.scatter [tilespmem:s19], [sflag:$0x1], $0x400, $0x38;
	[tilespmem:$0x4390] =	vst v63  }
0x22: {  	_ =	swait.ge [sflag:s18], $0x400  }
0x23: {  	[sflag:s18] =	ssyncset.done $0x0  }
0x24: {  	[sflag:s18] =	ssyncadd.s32 $0xFFFFFC00  }
0x25: {  	[spmem:s12] =	stream.linear.scatter [tilespmem:s19], [sflag:$0x1], $0x400, $0x38;
	[tilespmem:$0x4390] =	vst v63  }
0x26: {  	_ =	swait.ge [sflag:s18], $0x400  }
0x27: {  	[sflag:s18] =	ssyncset.done $0x0  }
0x28: {  	[sflag:s18] =	ssyncadd.s32 $0xFFFFFC00  }
0x29: {  	[spmem:s13] =	stream.linear.scatter [tilespmem:s19], [sflag:$0x1], $0x400, $0x38;
	[tilespmem:$0x4390] =	vst v63  }
0x2a: {  	_ =	swait.ge [sflag:s18], $0x400  }
0x2b: {  	[sflag:s18] =	ssyncset.done $0x0  }
0x2c: {  	[sflag:s18] =	ssyncadd.s32 $0xFFFFFC00  }
0x2d: {  	[spmem:s8] =	stream.linear.scatter [tilespmem:s19], [sflag:$0x1], $0x390, $0x38;
	[tilespmem:$0x4390] =	vst v63  }
0x2e: {  	_ =	swait.ge [sflag:s18], $0x390  }
0x2f: {  	[sflag:s18] =	ssyncset.done $0x0  }
0x30: {  	[sflag:s18] =	ssyncadd.s32 $0xFFFFFC70  }
0x31: {  	s23 =	simm.s32 $0x0;
	[bflag:$0x0] =	sbarrier.arrive $0xFFFF  }
0x32: {  	[spmem:s2] =	stream.indirect.scatter.add.f32 [tilespmem:s20], [sflag:$0x1], $0x8, s23, s21, $0xb8;
	[tilespmem:$0x4390] =	vst v63  }
0x33: {  	_ =	swait.ge [sflag:s18], $0x400  }
0x34: {  	s23 =	simm.s32 $0x200;
	[sflag:s18] =	ssyncset.done $0x0  }
.LBB2_2:
0x35: {  	s24 =	sshra.s32 s23, $0x2;
	[sflag:s18] =	ssyncadd.s32 $0xFFFFFC00;
	p0 =	sne.s32 s23, $0x9E00  }
0x36: {  	[spmem:s2] =	stream.indirect.scatter.add.f32 [tilespmem:s20], [sflag:$0x1], $0x8, s24, s21, $0xb8;
	[tilespmem:$0x4390] =	vst v63  }
.Ltmp0:
0x37: {  	_ = 	snop;
	(pc) =	sbr.rel @p0 .LBB2_2-.Ltmp0, $4  }
0x38: {  	_ = 	snop  }
0x39: {  	s23 =	sadd.s32 $0x200, s23  }
0x3a: {  	_ =	swait.ge [sflag:s18], $0x400  }
0x3b: {  	[sflag:s18] =	ssyncset.done $0x0  }
0x3c: {  	[sflag:s18] =	ssyncadd.s32 $0xFFFFFC00  }
0x3d: {  	[bflag:$0x0] =	sbarrier.arrive $0xFFFF  }
0x3e: {  	[tilespmem:s19], [sflag:$0x1] =	stream.linear.gather [spmem:s7], $0x400, $0x38;
	[tilespmem:$0x4390] =	vst v63  }
0x3f: {  	_ =	swait.ge [sflag:s18], $0x400  }
0x40: {  	[sflag:s18] =	ssyncset.done $0x0  }
0x41: {  	[sflag:s18] =	ssyncadd.s32 $0xFFFFFC00  }
0x42: {  	[hbm4b:s14+s3] =	stream.linear.scatter [tilespmem:s19], [sflag:$0x1], $0x400, $0x38;
	[tilespmem:$0x4390] =	vst v63  }
0x43: {  	_ =	swait.ge [sflag:s18], $0x400  }
0x44: {  	[sflag:s18] =	ssyncset.done $0x0  }
0x45: {  	[sflag:s18] =	ssyncadd.s32 $0xFFFFFC00  }
0x46: {  	[tilespmem:s19], [sflag:$0x1] =	stream.linear.gather [spmem:s11], $0x400, $0x38;
	[tilespmem:$0x4390] =	vst v63  }
0x47: {  	_ =	swait.ge [sflag:s18], $0x400  }
0x48: {  	[sflag:s18] =	ssyncset.done $0x0  }
0x49: {  	[sflag:s18] =	ssyncadd.s32 $0xFFFFFC00  }
0x4a: {  	[hbm4b:s15+s3] =	stream.linear.scatter [tilespmem:s19], [sflag:$0x1], $0x400, $0x38;
	[tilespmem:$0x4390] =	vst v63  }
0x4b: {  	_ =	swait.ge [sflag:s18], $0x400  }
0x4c: {  	[sflag:s18] =	ssyncset.done $0x0  }
0x4d: {  	[sflag:s18] =	ssyncadd.s32 $0xFFFFFC00  }
0x4e: {  	[tilespmem:s19], [sflag:$0x1] =	stream.linear.gather [spmem:s12], $0x400, $0x38;
	[tilespmem:$0x4390] =	vst v63  }
0x4f: {  	_ =	swait.ge [sflag:s18], $0x400  }
0x50: {  	[sflag:s18] =	ssyncset.done $0x0  }
0x51: {  	[sflag:s18] =	ssyncadd.s32 $0xFFFFFC00  }
0x52: {  	[hbm4b:s16+s3] =	stream.linear.scatter [tilespmem:s19], [sflag:$0x1], $0x400, $0x38;
	[tilespmem:$0x4390] =	vst v63  }
0x53: {  	_ =	swait.ge [sflag:s18], $0x400  }
0x54: {  	[sflag:s18] =	ssyncset.done $0x0  }
0x55: {  	[sflag:s18] =	ssyncadd.s32 $0xFFFFFC00  }
0x56: {  	[tilespmem:s19], [sflag:$0x1] =	stream.linear.gather [spmem:s13], $0x400, $0x38;
	[tilespmem:$0x4390] =	vst v63  }
0x57: {  	_ =	swait.ge [sflag:s18], $0x400  }
0x58: {  	[sflag:s18] =	ssyncset.done $0x0  }
0x59: {  	[sflag:s18] =	ssyncadd.s32 $0xFFFFFC00  }
0x5a: {  	[hbm4b:s17+s3] =	stream.linear.scatter [tilespmem:s19], [sflag:$0x1], $0x400, $0x38;
	[tilespmem:$0x4390] =	vst v63  }
0x5b: {  	_ =	swait.ge [sflag:s18], $0x400  }
0x5c: {  	[sflag:s18] =	ssyncset.done $0x0  }
0x5d: {  	[sflag:s18] =	ssyncadd.s32 $0xFFFFFC00  }
0x5e: {  	[tilespmem:s19], [sflag:$0x1] =	stream.linear.gather [spmem:s8], $0x390, $0x38;
	[tilespmem:$0x4390] =	vst v63  }
0x5f: {  	s22 =	sadd.s32 $0x1, s22;
	_ =	swait.ge [sflag:s18], $0x390  }
0x60: {  	p0 =	sne.s32 s22, s10;
	[sflag:s18] =	ssyncset.done $0x0  }
.Ltmp1:
0x61: {  	[sflag:s18] =	ssyncadd.s32 $0xFFFFFC70;
	(pc) =	sbr.rel @p0 .LBB2_1-.Ltmp1, $4  }
0x62: {  	[hbm4b:s9+s3] =	stream.linear.scatter [tilespmem:s19], [sflag:$0x1], $0x390, $0x38;
	[tilespmem:$0x4390] =	vst v63  }
0x63: {  	_ =	swait.ge [sflag:s18], $0x390  }
0x64: {  	[sflag:s18] =	ssyncset.done $0x0  }
0x65: {  	[sflag:s18] =	ssyncadd.s32 $0xFFFFFC70  }
0x66: {  	_ =	sfence.sel $0x180000  }
0x67: {  	[bflag:$0x0] =	sbarrier.arrive $0xFFFF  }
0x68: {  	p0 =	sne.s32 s0, $0x0;
	_ =	strace $0x9000004A  }
0x69: {  	s0 =	sadd.s32 @!p0 $0x100000, s1;
	[bflag:$0x2] =	sbarrier.arrive $0xFFFF  }
0x6a: {  	[sflag:s0] =	ssyncadd.tile.s32 @!p0 $0x1;
	_ =	shalt  }
.Lfunc_end2:
_tile_overlayer_lowered:
.L_overlay_start_2:
0x6b: {  	(tag) =	ssettag $0x2  }
0x6c: {  	s0 =	rddreg [dreg:$0x0];
	s2 =	stileid.u32  }
0x6d: {  	s1 =	rddreg [dreg:$0x1];
	p0 =	sne.s32 s2, $0x0  }
0x6e: {  	s3 =	rddreg [dreg:$0x2];
	[bflag:$0x3] =	sbarrier.arrive $0xFFFF;
	s2 =	simm.s32 @!p0 $0x1C01  }
0x6f: {  	[timem:s3], [sflag:s2] =	dma.local @!p0 [hbm:s0], s1  }
0x70: {  	s0 =	simm.s32 @!p0 $0x1  }
0x71: {  	_ =	swait.ge @!p0 [sflag:s0], s1  }
0x72: {  	s1 =	ssub.s32 @!p0 $0x0, s1;
	[sflag:s0] =	ssyncset.done @!p0 $0x0  }
0x73: {  	[sflag:s0] =	ssyncadd.s32 @!p0 s1  }
0x74: {  	[bflag:$0x3] =	sbarrier.arrive $0xFFFF  }
0x75: {  	_ =	shalt  }

</sc_bundles>
